<compile_context>
chip_gen: v7x
topology: tpu7x:2x2x1
jax: 0.10.2.dev20260603
libtpu: 0.0.44.dev20260713+nightly
codegen_flags: <defaults>
</compile_context>

<pallas_src>
import jax
import jax.numpy as jnp
from jax import lax
from jax.experimental import pallas as pl
from jax.experimental.pallas import tpu as pltpu
from jax.experimental.pallas import tpu_sc as plsc

N_NODES = 10000
N_EDGES = 320000
D = 128

NC = 2
NS = 16
NW = NC * NS

CHUNK = 128
B = 8
NB = 10
K = NB * B
E_PER_W = K * CHUNK
EPAD = NW * E_PER_W
NPAD = 10240
ROWS_PER_TILE = NPAD // NS

_MESH = plsc.VectorSubcoreMesh(core_axis_name="c", subcore_axis_name="s",
                               num_cores=NC, num_subcores=NS)
_SC_PARAMS = pltpu.CompilerParams(needs_layout_passes=False)


def _deg_body(src_hbm, dst_hbm, dego_hbm, degi_hbm, sidx, didx, ho, hi, sem):
    cid = lax.axis_index("c")
    sid = lax.axis_index("s")
    wid = sid * NC + cid

    pltpu.async_copy(src_hbm.at[wid], sidx, sem).wait()
    pltpu.async_copy(dst_hbm.at[wid], didx, sem).wait()

    zeros16 = jnp.zeros((16,), jnp.float32)

    def zero_body(i, _):
        ho[pl.ds(i * 16, 16)] = zeros16
        hi[pl.ds(i * 16, 16)] = zeros16
        return _

    lax.fori_loop(0, NPAD // 16, zero_body, None)

    ones16 = jnp.ones((16,), jnp.float32)

    def edge_body(i, _):
        s = sidx[pl.ds(i * 16, 16)]
        d = didx[pl.ds(i * 16, 16)]
        plsc.addupdate_scatter(ho, [s], ones16)
        plsc.addupdate_scatter(hi, [d], ones16)
        return _

    lax.fori_loop(0, E_PER_W // 16, edge_body, None)

    pltpu.sync_copy(ho, dego_hbm.at[wid])
    pltpu.sync_copy(hi, degi_hbm.at[wid])


_deg_kernel = pl.kernel(
    _deg_body,
    out_type=(jax.ShapeDtypeStruct((NW, NPAD), jnp.float32),
              jax.ShapeDtypeStruct((NW, NPAD), jnp.float32)),
    mesh=_MESH,
    scratch_types=[
        pltpu.VMEM((E_PER_W,), jnp.int32),
        pltpu.VMEM((E_PER_W,), jnp.int32),
        pltpu.VMEM((NPAD,), jnp.float32),
        pltpu.VMEM((NPAD,), jnp.float32),
        pltpu.SemaphoreType.DMA,
    ],
    compiler_params=_SC_PARAMS,
)


def _scale_body(feats_ref, degp_ref, h_ref):
    deg = jnp.sum(degp_ref[:, 0:N_NODES], axis=0)
    norm = jnp.where(deg > 0, lax.rsqrt(deg), 0.0)
    h_ref[...] = feats_ref[...] * norm[:, None]


def _scale(feats, dego_p):
    return pl.pallas_call(
        _scale_body,
        out_shape=jax.ShapeDtypeStruct((N_NODES, D), jnp.float32),
    )(feats, dego_p)


def _agg_body(h_hbm, src_hbm, dst_hbm, out0_hbm, out1_hbm,
              sbufA, dbufA, sbufB, dbufB, rows0, rows1, acc,
              semA, semB, semIA, semIB):
    cid = lax.axis_index("c")
    sid = lax.axis_index("s")
    wid = sid * NC + cid

    pltpu.async_copy(src_hbm.at[wid, 0], sbufA, semIA)
    pltpu.async_copy(dst_hbm.at[wid, 0], dbufA, semIA)
    pltpu.async_copy(src_hbm.at[wid, 1], sbufB, semIB)
    pltpu.async_copy(dst_hbm.at[wid, 1], dbufB, semIB)

    zeros16 = jnp.zeros((16,), jnp.float32)

    def zero_body(r, _):
        for c in range(D // 16):
            rows0[r, pl.ds(c * 16, 16)] = zeros16
        return _

    lax.fori_loop(0, CHUNK, zero_body, None)
    for k in range(ROWS_PER_TILE // CHUNK):
        pltpu.sync_copy(rows0, acc.at[pl.ds(sid * ROWS_PER_TILE + k * CHUNK, CHUNK)])
    plsc.subcore_barrier()

    rows = (rows0, rows1)
    sems = (semA, semB)

    def batch(bi, sbuf, dbuf, semI):
        pltpu.make_async_copy(src_hbm.at[wid, 0], sbuf, semI).wait()
        pltpu.make_async_copy(dst_hbm.at[wid, 0], dbuf, semI).wait()
        pltpu.async_copy(h_hbm.at[sbuf.at[0]], rows0, semA)
        for i in range(1, B):
            p, q = i & 1, (i - 1) & 1
            pltpu.async_copy(h_hbm.at[sbuf.at[i]], rows[p], sems[p])
            pltpu.make_async_copy(h_hbm.at[sbuf.at[i - 1]], rows[q], sems[q]).wait()
            pltpu.sync_copy(rows[q], acc.at[dbuf.at[i - 1]], add=True)
        pltpu.make_async_copy(h_hbm.at[sbuf.at[B - 1]], rows[(B - 1) & 1],
                              sems[(B - 1) & 1]).wait()
        pltpu.sync_copy(rows[(B - 1) & 1], acc.at[dbuf.at[B - 1]], add=True)
        @pl.when(bi + 2 < NB)
        def _():
            pltpu.async_copy(src_hbm.at[wid, bi + 2], sbuf, semI)
            pltpu.async_copy(dst_hbm.at[wid, bi + 2], dbuf, semI)

    def pair_body(t, _):
        batch(2 * t, sbufA, dbufA, semIA)
        batch(2 * t + 1, sbufB, dbufB, semIB)
        return _

    lax.fori_loop(0, NB // 2, pair_body, None)

    plsc.subcore_barrier()
    sl = pl.ds(sid * ROWS_PER_TILE, ROWS_PER_TILE)

    @pl.when(cid == 0)
    def _():
        pltpu.sync_copy(acc.at[sl], out0_hbm.at[sl])

    @pl.when(cid == 1)
    def _():
        pltpu.sync_copy(acc.at[sl], out1_hbm.at[sl])


_agg_kernel = pl.kernel(
    _agg_body,
    out_type=(jax.ShapeDtypeStruct((NPAD, D), jnp.float32),
              jax.ShapeDtypeStruct((NPAD, D), jnp.float32)),
    mesh=_MESH,
    scratch_types=[
        pltpu.VMEM((B, CHUNK), jnp.int32),
        pltpu.VMEM((B, CHUNK), jnp.int32),
        pltpu.VMEM((B, CHUNK), jnp.int32),
        pltpu.VMEM((B, CHUNK), jnp.int32),
        pltpu.VMEM((CHUNK, D), jnp.float32),
        pltpu.VMEM((CHUNK, D), jnp.float32),
        pltpu.VMEM_SHARED((NPAD, D), jnp.float32),
        pltpu.SemaphoreType.DMA,
        pltpu.SemaphoreType.DMA,
        pltpu.SemaphoreType.DMA,
        pltpu.SemaphoreType.DMA,
    ],
    compiler_params=_SC_PARAMS,
)


def _out_body(a0_ref, a1_ref, degp_ref, w_ref, b_ref, pa_ref, o_ref):
    deg = jnp.sum(degp_ref[...], axis=0)
    norm = jnp.where(deg > 0, lax.rsqrt(deg), 0.0)
    rst = (a0_ref[0:N_NODES] + a1_ref[0:N_NODES]) * norm[0:N_NODES, None]
    o = jnp.dot(rst, w_ref[...], preferred_element_type=jnp.float32) + b_ref[...]
    a = pa_ref[0, 0]
    o_ref[...] = jnp.where(o >= 0, o, a * o)


def _finish(a0, a1, degi_p, W, b2, pa2):
    return pl.pallas_call(
        _out_body,
        in_specs=[
            pl.BlockSpec(memory_space=pltpu.VMEM),
            pl.BlockSpec(memory_space=pltpu.VMEM),
            pl.BlockSpec(memory_space=pltpu.VMEM),
            pl.BlockSpec(memory_space=pltpu.VMEM),
            pl.BlockSpec(memory_space=pltpu.VMEM),
            pl.BlockSpec(memory_space=pltpu.SMEM),
        ],
        out_shape=jax.ShapeDtypeStruct((N_NODES, D), jnp.float32),
    )(a0, a1, degi_p, W, b2, pa2)


def kernel(feats, edge_index, W, b, prelu_a):
    src = edge_index[0].astype(jnp.int32)
    dst = edge_index[1].astype(jnp.int32)
    cyc = jnp.arange(EPAD - N_EDGES, dtype=jnp.int32) % (NPAD - N_NODES)
    pad = N_NODES + cyc
    pad0 = cyc
    src_p = jnp.concatenate([src, pad]).reshape(NW, E_PER_W)
    dst_p = jnp.concatenate([dst, pad]).reshape(NW, E_PER_W)
    src_c = jnp.concatenate([src, pad0]).reshape(NW, NB, B, CHUNK)
    dst_c = dst_p.reshape(NW, NB, B, CHUNK)

    dego_p, degi_p = _deg_kernel(src_p, dst_p)
    h = _scale(feats, dego_p)
    a0, a1 = _agg_kernel(h, src_c, dst_c)
    out = _finish(a0, a1, degi_p, W,
                  b.reshape(1, D), prelu_a.reshape(1, 1))
    return out

# --- scband reference (transcript-rebuilt; emitter-appended) ---
"""Pipeline reference for scband-bi-graph-contrast-layer-31353261260880 (READ-ONLY COPY).

The authoritative reference and input builder live on the scoring server;
editing this copy changes nothing except your own understanding.
"""

import jax, jax.numpy as jnp
import numpy as np

N_NODES = 10000
N_EDGES = 320000
IN_DIM = 128
HIDDEN_DIM = 128


def setup_inputs(seed: int = 0) -> dict:
    key = jax.random.key(seed)
    k1, k2, k3, k4 = jax.random.split(key, 4)
    feats = jax.random.normal(k1, (N_NODES, IN_DIM), dtype=jnp.float32)
    edge_index = jax.random.randint(k2, (2, N_EDGES), 0, N_NODES).astype(jnp.int64)
    # GraphConv learned params (Glorot-ish init) + bias + PReLU weight (num_parameters=1, init 0.25)
    W = jax.random.normal(k3, (IN_DIM, HIDDEN_DIM), dtype=jnp.float32) * (1.0 / np.sqrt(IN_DIM))
    b = jnp.zeros((HIDDEN_DIM,), dtype=jnp.float32)
    prelu_a = jnp.array([0.25], dtype=jnp.float32)
    return {"feats": feats, "edge_index": edge_index, "W": W, "b": b, "prelu_a": prelu_a}


def reference(feats, edge_index, W, b, prelu_a):
    # DGL GraphConv with norm='both', weight=True, bias=True, activation=PReLU
    src = edge_index[0]
    dst = edge_index[1]
    ones = jnp.ones((src.shape[0],), dtype=jnp.float32)
    deg_out = jax.ops.segment_sum(ones, src, num_segments=N_NODES)
    deg_in = jax.ops.segment_sum(ones, dst, num_segments=N_NODES)
    norm_out = jnp.where(deg_out > 0, deg_out ** -0.5, 0.0)
    norm_in = jnp.where(deg_in > 0, deg_in ** -0.5, 0.0)
    # normalize source features, gather along edges, scatter-add to destinations
    h = feats * norm_out[:, None]
    msgs = jnp.take(h, src, axis=0)
    agg = jax.ops.segment_sum(msgs, dst, num_segments=N_NODES)
    rst = agg * norm_in[:, None]
    out = rst @ W + b
    # PReLU activation
    out = jnp.where(out >= 0, out, prelu_a[0] * out)
    return out

if __name__ == "__main__":
    import jax
    _d = setup_inputs()
    print(jax.jit(kernel)(*tuple(_d.values())))

</pallas_src>

<mosaic_0001>
#map = affine_map<(d0, d1) -> (0, 0)>
#map1 = affine_map<(d0, d1) -> (0, 0, 0, 0)>
module attributes {stable_mosaic.version = 14 : i64} {
  func.func @_agg_body(%arg0: i32, %arg1: i32, %arg2: memref<10000x128xf32, #tpu.memory_space<hbm>>, %arg3: memref<32x10x8x128xi32, #tpu.memory_space<hbm>>, %arg4: memref<32x10x8x128xi32, #tpu.memory_space<hbm>>, %arg5: memref<10240x128xf32, #tpu.memory_space<hbm>>, %arg6: memref<10240x128xf32, #tpu.memory_space<hbm>>, %arg7: memref<8x128xi32, #tpu.memory_space<vmem>>, %arg8: memref<8x128xi32, #tpu.memory_space<vmem>>, %arg9: memref<8x128xi32, #tpu.memory_space<vmem>>, %arg10: memref<8x128xi32, #tpu.memory_space<vmem>>, %arg11: memref<128x128xf32, #tpu.memory_space<vmem>>, %arg12: memref<128x128xf32, #tpu.memory_space<vmem>>, %arg13: memref<10240x128xf32, #tpu.memory_space<vmem_shared>>, %arg14: memref<!tpu.dma_semaphore, #tpu.memory_space<semaphore_mem>>, %arg15: memref<!tpu.dma_semaphore, #tpu.memory_space<semaphore_mem>>, %arg16: memref<!tpu.dma_semaphore, #tpu.memory_space<semaphore_mem>>, %arg17: memref<!tpu.dma_semaphore, #tpu.memory_space<semaphore_mem>>) attributes {dimension_semantics = [#tpu.dimension_semantics<core_parallel>, #tpu.dimension_semantics<subcore_parallel>], iteration_bounds = array<i64: 2, 16>, scalar_prefetch = 0 : i64, scratch_operands = 11 : i64, tpu.core_type = #tpu.core_type<sc_vector_subcore>, window_params = [{transform_indices = #map}, {transform_indices = #map1}, {transform_indices = #map1}, {transform_indices = #map}, {transform_indices = #map}]} {
    %mul3A = arith.constant 2 : i32
    %mul3A_0 = arith.muli %arg1, %mul3A : i32
    %add3A = arith.addi %mul3A_0, %arg0 : i32
    %dma_start3A = arith.constant 0 : i32
    %dma_start3A_1 = arith.constant 0 : i32
    %dma_start3A_2 = arith.constant 0 : i32
    %dma_start3A_3 = tpu.memref_slice %arg3[%add3A, %dma_start3A, %dma_start3A_1, %dma_start3A_2] : memref<32x10x8x128xi32, #tpu.memory_space<hbm>> -> memref<1x1x8x128xi32, #tpu.memory_space<hbm>>
    %dma_start3A_4 = tpu.memref_squeeze %dma_start3A_3 : memref<1x1x8x128xi32, #tpu.memory_space<hbm>> -> memref<8x128xi32, #tpu.memory_space<hbm>>
    %dma_start3A_5 = arith.constant 0 : i32
    %dma_start3A_6 = arith.constant 0 : i32
    %dma_start3A_7 = tpu.memref_slice %arg3[%add3A, %dma_start3A, %dma_start3A_5, %dma_start3A_6] : memref<32x10x8x128xi32, #tpu.memory_space<hbm>> -> memref<1x1x8x128xi32, #tpu.memory_space<hbm>>
    %dma_start3A_8 = tpu.memref_squeeze %dma_start3A_7 : memref<1x1x8x128xi32, #tpu.memory_space<hbm>> -> memref<8x128xi32, #tpu.memory_space<hbm>>
    tpu.enqueue_dma source(%dma_start3A_8 : memref<8x128xi32, #tpu.memory_space<hbm>>) target(%arg7 : memref<8x128xi32, #tpu.memory_space<vmem>>) target_semaphore(%arg16 : memref<!tpu.dma_semaphore, #tpu.memory_space<semaphore_mem>>)
    %dma_start3A_9 = arith.constant 0 : i32
    %dma_start3A_10 = arith.constant 0 : i32
    %dma_start3A_11 = arith.constant 0 : i32
    %dma_start3A_12 = tpu.memref_slice %arg4[%add3A, %dma_start3A_9, %dma_start3A_10, %dma_start3A_11] : memref<32x10x8x128xi32, #tpu.memory_space<hbm>> -> memref<1x1x8x128xi32, #tpu.memory_space<hbm>>
    %dma_start3A_13 = tpu.memref_squeeze %dma_start3A_12 : memref<1x1x8x128xi32, #tpu.memory_space<hbm>> -> memref<8x128xi32, #tpu.memory_space<hbm>>
    %dma_start3A_14 = arith.constant 0 : i32
    %dma_start3A_15 = arith.constant 0 : i32
    %dma_start3A_16 = tpu.memref_slice %arg4[%add3A, %dma_start3A_9, %dma_start3A_14, %dma_start3A_15] : memref<32x10x8x128xi32, #tpu.memory_space<hbm>> -> memref<1x1x8x128xi32, #tpu.memory_space<hbm>>
    %dma_start3A_17 = tpu.memref_squeeze %dma_start3A_16 : memref<1x1x8x128xi32, #tpu.memory_space<hbm>> -> memref<8x128xi32, #tpu.memory_space<hbm>>
    tpu.enqueue_dma source(%dma_start3A_17 : memref<8x128xi32, #tpu.memory_space<hbm>>) target(%arg8 : memref<8x128xi32, #tpu.memory_space<vmem>>) target_semaphore(%arg16 : memref<!tpu.dma_semaphore, #tpu.memory_space<semaphore_mem>>)
    %dma_start3A_18 = arith.constant 1 : i32
    %dma_start3A_19 = arith.constant 0 : i32
    %dma_start3A_20 = arith.constant 0 : i32
    %dma_start3A_21 = tpu.memref_slice %arg3[%add3A, %dma_start3A_18, %dma_start3A_19, %dma_start3A_20] : memref<32x10x8x128xi32, #tpu.memory_space<hbm>> -> memref<1x1x8x128xi32, #tpu.memory_space<hbm>>
    %dma_start3A_22 = tpu.memref_squeeze %dma_start3A_21 : memref<1x1x8x128xi32, #tpu.memory_space<hbm>> -> memref<8x128xi32, #tpu.memory_space<hbm>>
    %dma_start3A_23 = arith.constant 0 : i32
    %dma_start3A_24 = arith.constant 0 : i32
    %dma_start3A_25 = tpu.memref_slice %arg3[%add3A, %dma_start3A_18, %dma_start3A_23, %dma_start3A_24] : memref<32x10x8x128xi32, #tpu.memory_space<hbm>> -> memref<1x1x8x128xi32, #tpu.memory_space<hbm>>
    %dma_start3A_26 = tpu.memref_squeeze %dma_start3A_25 : memref<1x1x8x128xi32, #tpu.memory_space<hbm>> -> memref<8x128xi32, #tpu.memory_space<hbm>>
    tpu.enqueue_dma source(%dma_start3A_26 : memref<8x128xi32, #tpu.memory_space<hbm>>) target(%arg9 : memref<8x128xi32, #tpu.memory_space<vmem>>) target_semaphore(%arg17 : memref<!tpu.dma_semaphore, #tpu.memory_space<semaphore_mem>>)
    %dma_start3A_27 = arith.constant 1 : i32
    %dma_start3A_28 = arith.constant 0 : i32
    %dma_start3A_29 = arith.constant 0 : i32
    %dma_start3A_30 = tpu.memref_slice %arg4[%add3A, %dma_start3A_27, %dma_start3A_28, %dma_start3A_29] : memref<32x10x8x128xi32, #tpu.memory_space<hbm>> -> memref<1x1x8x128xi32, #tpu.memory_space<hbm>>
    %dma_start3A_31 = tpu.memref_squeeze %dma_start3A_30 : memref<1x1x8x128xi32, #tpu.memory_space<hbm>> -> memref<8x128xi32, #tpu.memory_space<hbm>>
    %dma_start3A_32 = arith.constant 0 : i32
    %dma_start3A_33 = arith.constant 0 : i32
    %dma_start3A_34 = tpu.memref_slice %arg4[%add3A, %dma_start3A_27, %dma_start3A_32, %dma_start3A_33] : memref<32x10x8x128xi32, #tpu.memory_space<hbm>> -> memref<1x1x8x128xi32, #tpu.memory_space<hbm>>
    %dma_start3A_35 = tpu.memref_squeeze %dma_start3A_34 : memref<1x1x8x128xi32, #tpu.memory_space<hbm>> -> memref<8x128xi32, #tpu.memory_space<hbm>>
    tpu.enqueue_dma source(%dma_start3A_35 : memref<8x128xi32, #tpu.memory_space<hbm>>) target(%arg10 : memref<8x128xi32, #tpu.memory_space<vmem>>) target_semaphore(%arg17 : memref<!tpu.dma_semaphore, #tpu.memory_space<semaphore_mem>>)
    %broadcast_in_dim3A = arith.constant 0.000000e+00 : f32
    %broadcast_in_dim3A_36 = vector.broadcast %broadcast_in_dim3A : f32 to vector<16xf32>
    %scan3A = arith.constant 0 : i32
    %scan3A_37 = arith.constant 128 : i32
    %scan3A_38 = arith.addi %scan3A, %scan3A_37 : i32
    %scan3A_39 = arith.constant 1 : i32
    scf.for %scan3A_76 = %scan3A to %scan3A_38 step %scan3A_39  : i32 {
      %swap3A = arith.index_cast %scan3A_76 : i32 to index
      %swap3A_77 = arith.constant 0 : index
      %swap3A_78 = tpu.vector_load %arg11[%swap3A, %swap3A_77] {strides = array<i32>} : memref<128x128xf32, #tpu.memory_space<vmem>>, vector<16xf32>,
      tpu.vector_store %arg11[%swap3A, %swap3A_77], %broadcast_in_dim3A_36 {strides = array<i32>} : memref<128x128xf32, #tpu.memory_space<vmem>>, vector<16xf32>,
      %swap3A_79 = arith.index_cast %scan3A_76 : i32 to index
      %swap3A_80 = arith.constant 16 : index
      %swap3A_81 = tpu.vector_load %arg11[%swap3A_79, %swap3A_80] {strides = array<i32>} : memref<128x128xf32, #tpu.memory_space<vmem>>, vector<16xf32>,
      tpu.vector_store %arg11[%swap3A_79, %swap3A_80], %broadcast_in_dim3A_36 {strides = array<i32>} : memref<128x128xf32, #tpu.memory_space<vmem>>, vector<16xf32>,
      %swap3A_82 = arith.index_cast %scan3A_76 : i32 to index
      %swap3A_83 = arith.constant 32 : index
      %swap3A_84 = tpu.vector_load %arg11[%swap3A_82, %swap3A_83] {strides = array<i32>} : memref<128x128xf32, #tpu.memory_space<vmem>>, vector<16xf32>,
      tpu.vector_store %arg11[%swap3A_82, %swap3A_83], %broadcast_in_dim3A_36 {strides = array<i32>} : memref<128x128xf32, #tpu.memory_space<vmem>>, vector<16xf32>,
      %swap3A_85 = arith.index_cast %scan3A_76 : i32 to index
      %swap3A_86 = arith.constant 48 : index
      %swap3A_87 = tpu.vector_load %arg11[%swap3A_85, %swap3A_86] {strides = array<i32>} : memref<128x128xf32, #tpu.memory_space<vmem>>, vector<16xf32>,
      tpu.vector_store %arg11[%swap3A_85, %swap3A_86], %broadcast_in_dim3A_36 {strides = array<i32>} : memref<128x128xf32, #tpu.memory_space<vmem>>, vector<16xf32>,
      %swap3A_88 = arith.index_cast %scan3A_76 : i32 to index
      %swap3A_89 = arith.constant 64 : index
      %swap3A_90 = tpu.vector_load %arg11[%swap3A_88, %swap3A_89] {strides = array<i32>} : memref<128x128xf32, #tpu.memory_space<vmem>>, vector<16xf32>,
      tpu.vector_store %arg11[%swap3A_88, %swap3A_89], %broadcast_in_dim3A_36 {strides = array<i32>} : memref<128x128xf32, #tpu.memory_space<vmem>>, vector<16xf32>,
      %swap3A_91 = arith.index_cast %scan3A_76 : i32 to index
      %swap3A_92 = arith.constant 80 : index
      %swap3A_93 = tpu.vector_load %arg11[%swap3A_91, %swap3A_92] {strides = array<i32>} : memref<128x128xf32, #tpu.memory_space<vmem>>, vector<16xf32>,
      tpu.vector_store %arg11[%swap3A_91, %swap3A_92], %broadcast_in_dim3A_36 {strides = array<i32>} : memref<128x128xf32, #tpu.memory_space<vmem>>, vector<16xf32>,
      %swap3A_94 = arith.index_cast %scan3A_76 : i32 to index
      %swap3A_95 = arith.constant 96 : index
      %swap3A_96 = tpu.vector_load %arg11[%swap3A_94, %swap3A_95] {strides = array<i32>} : memref<128x128xf32, #tpu.memory_space<vmem>>, vector<16xf32>,
      tpu.vector_store %arg11[%swap3A_94, %swap3A_95], %broadcast_in_dim3A_36 {strides = array<i32>} : memref<128x128xf32, #tpu.memory_space<vmem>>, vector<16xf32>,
      %swap3A_97 = arith.index_cast %scan3A_76 : i32 to index
      %swap3A_98 = arith.constant 112 : index
      %swap3A_99 = tpu.vector_load %arg11[%swap3A_97, %swap3A_98] {strides = array<i32>} : memref<128x128xf32, #tpu.memory_space<vmem>>, vector<16xf32>,
      tpu.vector_store %arg11[%swap3A_97, %swap3A_98], %broadcast_in_dim3A_36 {strides = array<i32>} : memref<128x128xf32, #tpu.memory_space<vmem>>, vector<16xf32>,
    }
    %scan3A_40 = arith.constant 128 : i32
    %mul3A_41 = arith.constant 640 : i32
    %mul3A_42 = arith.muli %arg1, %mul3A_41 : i32
    %add3A_43 = arith.constant 0 : i32
    %add3A_44 = arith.addi %mul3A_42, %add3A_43 : i32
    "tpu.region"() ({
      %run_scoped3A = tpu.sem_alloc : memref<!tpu.dma_semaphore, #tpu.memory_space<semaphore_mem>>
      %dma_start3A_76 = arith.constant 0 : i32
      %dma_start3A_77 = tpu.memref_slice %arg13[%add3A_44, %dma_start3A_76] : memref<10240x128xf32, #tpu.memory_space<vmem_shared>> -> memref<128x128xf32, #tpu.memory_space<vmem_shared>>
      %dma_start3A_78 = arith.constant 0 : i32
      %dma_start3A_79 = tpu.memref_slice %arg13[%add3A_44, %dma_start3A_78] : memref<10240x128xf32, #tpu.memory_space<vmem_shared>> -> memref<128x128xf32, #tpu.memory_space<vmem_shared>>
      tpu.enqueue_dma source(%arg11 : memref<128x128xf32, #tpu.memory_space<vmem>>) target(%dma_start3A_79 : memref<128x128xf32, #tpu.memory_space<vmem_shared>>) target_semaphore(%run_scoped3A : memref<!tpu.dma_semaphore, #tpu.memory_space<semaphore_mem>>)
      %dma_wait3A = arith.constant 0 : i32
      %dma_wait3A_80 = tpu.memref_slice %arg13[%add3A_44, %dma_wait3A] : memref<10240x128xf32, #tpu.memory_space<vmem_shared>> -> memref<128x128xf32, #tpu.memory_space<vmem_shared>>
      %dma_wait3A_81 = arith.constant 0 : i32
      %dma_wait3A_82 = tpu.memref_slice %arg13[%add3A_44, %dma_wait3A_81] : memref<10240x128xf32, #tpu.memory_space<vmem_shared>> -> memref<128x128xf32, #tpu.memory_space<vmem_shared>>
      tpu.wait_dma2 semaphore(%run_scoped3A : memref<!tpu.dma_semaphore, #tpu.memory_space<semaphore_mem>>) src(%arg11 : memref<128x128xf32, #tpu.memory_space<vmem>>) dst(%dma_wait3A_82 : memref<128x128xf32, #tpu.memory_space<vmem_shared>>)
      tpu.yield
    }) : () -> ()
    %mul3A_45 = arith.constant 640 : i32
    %mul3A_46 = arith.muli %arg1, %mul3A_45 : i32
    %add3A_47 = arith.constant 128 : i32
    %add3A_48 = arith.addi %mul3A_46, %add3A_47 : i32
    "tpu.region"() ({
      %run_scoped3A = tpu.sem_alloc : memref<!tpu.dma_semaphore, #tpu.memory_space<semaphore_mem>>
      %dma_start3A_76 = arith.constant 0 : i32
      %dma_start3A_77 = tpu.memref_slice %arg13[%add3A_48, %dma_start3A_76] : memref<10240x128xf32, #tpu.memory_space<vmem_shared>> -> memref<128x128xf32, #tpu.memory_space<vmem_shared>>
      %dma_start3A_78 = arith.constant 0 : i32
      %dma_start3A_79 = tpu.memref_slice %arg13[%add3A_48, %dma_start3A_78] : memref<10240x128xf32, #tpu.memory_space<vmem_shared>> -> memref<128x128xf32, #tpu.memory_space<vmem_shared>>
      tpu.enqueue_dma source(%arg11 : memref<128x128xf32, #tpu.memory_space<vmem>>) target(%dma_start3A_79 : memref<128x128xf32, #tpu.memory_space<vmem_shared>>) target_semaphore(%run_scoped3A : memref<!tpu.dma_semaphore, #tpu.memory_space<semaphore_mem>>)
      %dma_wait3A = arith.constant 0 : i32
      %dma_wait3A_80 = tpu.memref_slice %arg13[%add3A_48, %dma_wait3A] : memref<10240x128xf32, #tpu.memory_space<vmem_shared>> -> memref<128x128xf32, #tpu.memory_space<vmem_shared>>
      %dma_wait3A_81 = arith.constant 0 : i32
      %dma_wait3A_82 = tpu.memref_slice %arg13[%add3A_48, %dma_wait3A_81] : memref<10240x128xf32, #tpu.memory_space<vmem_shared>> -> memref<128x128xf32, #tpu.memory_space<vmem_shared>>
      tpu.wait_dma2 semaphore(%run_scoped3A : memref<!tpu.dma_semaphore, #tpu.memory_space<semaphore_mem>>) src(%arg11 : memref<128x128xf32, #tpu.memory_space<vmem>>) dst(%dma_wait3A_82 : memref<128x128xf32, #tpu.memory_space<vmem_shared>>)
      tpu.yield
    }) : () -> ()
    %mul3A_49 = arith.constant 640 : i32
    %mul3A_50 = arith.muli %arg1, %mul3A_49 : i32
    %add3A_51 = arith.constant 256 : i32
    %add3A_52 = arith.addi %mul3A_50, %add3A_51 : i32
    "tpu.region"() ({
      %run_scoped3A = tpu.sem_alloc : memref<!tpu.dma_semaphore, #tpu.memory_space<semaphore_mem>>
      %dma_start3A_76 = arith.constant 0 : i32
      %dma_start3A_77 = tpu.memref_slice %arg13[%add3A_52, %dma_start3A_76] : memref<10240x128xf32, #tpu.memory_space<vmem_shared>> -> memref<128x128xf32, #tpu.memory_space<vmem_shared>>
      %dma_start3A_78 = arith.constant 0 : i32
      %dma_start3A_79 = tpu.memref_slice %arg13[%add3A_52, %dma_start3A_78] : memref<10240x128xf32, #tpu.memory_space<vmem_shared>> -> memref<128x128xf32, #tpu.memory_space<vmem_shared>>
      tpu.enqueue_dma source(%arg11 : memref<128x128xf32, #tpu.memory_space<vmem>>) target(%dma_start3A_79 : memref<128x128xf32, #tpu.memory_space<vmem_shared>>) target_semaphore(%run_scoped3A : memref<!tpu.dma_semaphore, #tpu.memory_space<semaphore_mem>>)
      %dma_wait3A = arith.constant 0 : i32
      %dma_wait3A_80 = tpu.memref_slice %arg13[%add3A_52, %dma_wait3A] : memref<10240x128xf32, #tpu.memory_space<vmem_shared>> -> memref<128x128xf32, #tpu.memory_space<vmem_shared>>
      %dma_wait3A_81 = arith.constant 0 : i32
      %dma_wait3A_82 = tpu.memref_slice %arg13[%add3A_52, %dma_wait3A_81] : memref<10240x128xf32, #tpu.memory_space<vmem_shared>> -> memref<128x128xf32, #tpu.memory_space<vmem_shared>>
      tpu.wait_dma2 semaphore(%run_scoped3A : memref<!tpu.dma_semaphore, #tpu.memory_space<semaphore_mem>>) src(%arg11 : memref<128x128xf32, #tpu.memory_space<vmem>>) dst(%dma_wait3A_82 : memref<128x128xf32, #tpu.memory_space<vmem_shared>>)
      tpu.yield
    }) : () -> ()
    %mul3A_53 = arith.constant 640 : i32
    %mul3A_54 = arith.muli %arg1, %mul3A_53 : i32
    %add3A_55 = arith.constant 384 : i32
    %add3A_56 = arith.addi %mul3A_54, %add3A_55 : i32
    "tpu.region"() ({
      %run_scoped3A = tpu.sem_alloc : memref<!tpu.dma_semaphore, #tpu.memory_space<semaphore_mem>>
      %dma_start3A_76 = arith.constant 0 : i32
      %dma_start3A_77 = tpu.memref_slice %arg13[%add3A_56, %dma_start3A_76] : memref<10240x128xf32, #tpu.memory_space<vmem_shared>> -> memref<128x128xf32, #tpu.memory_space<vmem_shared>>
      %dma_start3A_78 = arith.constant 0 : i32
      %dma_start3A_79 = tpu.memref_slice %arg13[%add3A_56, %dma_start3A_78] : memref<10240x128xf32, #tpu.memory_space<vmem_shared>> -> memref<128x128xf32, #tpu.memory_space<vmem_shared>>
      tpu.enqueue_dma source(%arg11 : memref<128x128xf32, #tpu.memory_space<vmem>>) target(%dma_start3A_79 : memref<128x128xf32, #tpu.memory_space<vmem_shared>>) target_semaphore(%run_scoped3A : memref<!tpu.dma_semaphore, #tpu.memory_space<semaphore_mem>>)
      %dma_wait3A = arith.constant 0 : i32
      %dma_wait3A_80 = tpu.memref_slice %arg13[%add3A_56, %dma_wait3A] : memref<10240x128xf32, #tpu.memory_space<vmem_shared>> -> memref<128x128xf32, #tpu.memory_space<vmem_shared>>
      %dma_wait3A_81 = arith.constant 0 : i32
      %dma_wait3A_82 = tpu.memref_slice %arg13[%add3A_56, %dma_wait3A_81] : memref<10240x128xf32, #tpu.memory_space<vmem_shared>> -> memref<128x128xf32, #tpu.memory_space<vmem_shared>>
      tpu.wait_dma2 semaphore(%run_scoped3A : memref<!tpu.dma_semaphore, #tpu.memory_space<semaphore_mem>>) src(%arg11 : memref<128x128xf32, #tpu.memory_space<vmem>>) dst(%dma_wait3A_82 : memref<128x128xf32, #tpu.memory_space<vmem_shared>>)
      tpu.yield
    }) : () -> ()
    %mul3A_57 = arith.constant 640 : i32
    %mul3A_58 = arith.muli %arg1, %mul3A_57 : i32
    %add3A_59 = arith.constant 512 : i32
    %add3A_60 = arith.addi %mul3A_58, %add3A_59 : i32
    "tpu.region"() ({
      %run_scoped3A = tpu.sem_alloc : memref<!tpu.dma_semaphore, #tpu.memory_space<semaphore_mem>>
      %dma_start3A_76 = arith.constant 0 : i32
      %dma_start3A_77 = tpu.memref_slice %arg13[%add3A_60, %dma_start3A_76] : memref<10240x128xf32, #tpu.memory_space<vmem_shared>> -> memref<128x128xf32, #tpu.memory_space<vmem_shared>>
      %dma_start3A_78 = arith.constant 0 : i32
      %dma_start3A_79 = tpu.memref_slice %arg13[%add3A_60, %dma_start3A_78] : memref<10240x128xf32, #tpu.memory_space<vmem_shared>> -> memref<128x128xf32, #tpu.memory_space<vmem_shared>>
      tpu.enqueue_dma source(%arg11 : memref<128x128xf32, #tpu.memory_space<vmem>>) target(%dma_start3A_79 : memref<128x128xf32, #tpu.memory_space<vmem_shared>>) target_semaphore(%run_scoped3A : memref<!tpu.dma_semaphore, #tpu.memory_space<semaphore_mem>>)
      %dma_wait3A = arith.constant 0 : i32
      %dma_wait3A_80 = tpu.memref_slice %arg13[%add3A_60, %dma_wait3A] : memref<10240x128xf32, #tpu.memory_space<vmem_shared>> -> memref<128x128xf32, #tpu.memory_space<vmem_shared>>
      %dma_wait3A_81 = arith.constant 0 : i32
      %dma_wait3A_82 = tpu.memref_slice %arg13[%add3A_60, %dma_wait3A_81] : memref<10240x128xf32, #tpu.memory_space<vmem_shared>> -> memref<128x128xf32, #tpu.memory_space<vmem_shared>>
      tpu.wait_dma2 semaphore(%run_scoped3A : memref<!tpu.dma_semaphore, #tpu.memory_space<semaphore_mem>>) src(%arg11 : memref<128x128xf32, #tpu.memory_space<vmem>>) dst(%dma_wait3A_82 : memref<128x128xf32, #tpu.memory_space<vmem_shared>>)
      tpu.yield
    }) : () -> ()
    %barrier3A = arith.constant 0 : index
    tpu.barrier barrier_id(%barrier3A)
    %scan3A_61 = arith.constant 0 : i32
    %scan3A_62 = arith.constant 5 : i32
    %scan3A_63 = arith.addi %scan3A_61, %scan3A_62 : i32
    %scan3A_64 = arith.constant 1 : i32
    scf.for %scan3A_76 = %scan3A_61 to %scan3A_63 step %scan3A_64  : i32 {
      %mul3A_77 = arith.constant 2 : i32
      %mul3A_78 = arith.muli %mul3A_77, %scan3A_76 : i32
      %dma_wait3A = arith.constant 0 : i32
      %dma_wait3A_79 = arith.constant 0 : i32
      %dma_wait3A_80 = arith.constant 0 : i32
      %dma_wait3A_81 = tpu.memref_slice %arg3[%add3A, %dma_wait3A, %dma_wait3A_79, %dma_wait3A_80] : memref<32x10x8x128xi32, #tpu.memory_space<hbm>> -> memref<1x1x8x128xi32, #tpu.memory_space<hbm>>
      %dma_wait3A_82 = tpu.memref_squeeze %dma_wait3A_81 : memref<1x1x8x128xi32, #tpu.memory_space<hbm>> -> memref<8x128xi32, #tpu.memory_space<hbm>>
      %dma_wait3A_83 = arith.constant 0 : i32
      %dma_wait3A_84 = arith.constant 0 : i32
      %dma_wait3A_85 = tpu.memref_slice %arg3[%add3A, %dma_wait3A, %dma_wait3A_83, %dma_wait3A_84] : memref<32x10x8x128xi32, #tpu.memory_space<hbm>> -> memref<1x1x8x128xi32, #tpu.memory_space<hbm>>
      %dma_wait3A_86 = tpu.memref_squeeze %dma_wait3A_85 : memref<1x1x8x128xi32, #tpu.memory_space<hbm>> -> memref<8x128xi32, #tpu.memory_space<hbm>>
      tpu.wait_dma2 semaphore(%arg16 : memref<!tpu.dma_semaphore, #tpu.memory_space<semaphore_mem>>) src(%dma_wait3A_86 : memref<8x128xi32, #tpu.memory_space<hbm>>) dst(%arg7 : memref<8x128xi32, #tpu.memory_space<vmem>>)
      %dma_wait3A_87 = arith.constant 0 : i32
      %dma_wait3A_88 = arith.constant 0 : i32
      %dma_wait3A_89 = arith.constant 0 : i32
      %dma_wait3A_90 = tpu.memref_slice %arg4[%add3A, %dma_wait3A_87, %dma_wait3A_88, %dma_wait3A_89] : memref<32x10x8x128xi32, #tpu.memory_space<hbm>> -> memref<1x1x8x128xi32, #tpu.memory_space<hbm>>
      %dma_wait3A_91 = tpu.memref_squeeze %dma_wait3A_90 : memref<1x1x8x128xi32, #tpu.memory_space<hbm>> -> memref<8x128xi32, #tpu.memory_space<hbm>>
      %dma_wait3A_92 = arith.constant 0 : i32
      %dma_wait3A_93 = arith.constant 0 : i32
      %dma_wait3A_94 = tpu.memref_slice %arg4[%add3A, %dma_wait3A_87, %dma_wait3A_92, %dma_wait3A_93] : memref<32x10x8x128xi32, #tpu.memory_space<hbm>> -> memref<1x1x8x128xi32, #tpu.memory_space<hbm>>
      %dma_wait3A_95 = tpu.memref_squeeze %dma_wait3A_94 : memref<1x1x8x128xi32, #tpu.memory_space<hbm>> -> memref<8x128xi32, #tpu.memory_space<hbm>>
      tpu.wait_dma2 semaphore(%arg16 : memref<!tpu.dma_semaphore, #tpu.memory_space<semaphore_mem>>) src(%dma_wait3A_95 : memref<8x128xi32, #tpu.memory_space<hbm>>) dst(%arg8 : memref<8x128xi32, #tpu.memory_space<vmem>>)
      %dma_start3A_96 = arith.constant 0 : i32
      %dma_start3A_97 = arith.constant 0 : i32
      %dma_start3A_98 = tpu.memref_slice %arg7[%dma_start3A_96, %dma_start3A_97] : memref<8x128xi32, #tpu.memory_space<vmem>> -> memref<1x128xi32, #tpu.memory_space<vmem>>
      %dma_start3A_99 = tpu.memref_squeeze %dma_start3A_98 : memref<1x128xi32, #tpu.memory_space<vmem>> -> memref<128xi32, #tpu.memory_space<vmem>>
      %dma_start3A_100 = arith.constant 0 : i32
      %dma_start3A_101 = arith.constant 0 : i32
      %dma_start3A_102 = tpu.memref_slice %arg2[%dma_start3A_100, %dma_start3A_101] : memref<10000x128xf32, #tpu.memory_space<hbm>> -> memref<10000x128xf32, #tpu.memory_space<hbm>>
      tpu.enqueue_indirect_dma source(%dma_start3A_102 : memref<10000x128xf32, #tpu.memory_space<hbm>>) target(%arg11 : memref<128x128xf32, #tpu.memory_space<vmem>>) offsets(%dma_start3A_99 : memref<128xi32, #tpu.memory_space<vmem>>) semaphore(%arg14 : memref<!tpu.dma_semaphore, #tpu.memory_space<semaphore_mem>>)
      %dma_start3A_103 = arith.constant 1 : i32
      %dma_start3A_104 = arith.constant 0 : i32
      %dma_start3A_105 = tpu.memref_slice %arg7[%dma_start3A_103, %dma_start3A_104] : memref<8x128xi32, #tpu.memory_space<vmem>> -> memref<1x128xi32, #tpu.memory_space<vmem>>
      %dma_start3A_106 = tpu.memref_squeeze %dma_start3A_105 : memref<1x128xi32, #tpu.memory_space<vmem>> -> memref<128xi32, #tpu.memory_space<vmem>>
      %dma_start3A_107 = arith.constant 0 : i32
      %dma_start3A_108 = arith.constant 0 : i32
      %dma_start3A_109 = tpu.memref_slice %arg2[%dma_start3A_107, %dma_start3A_108] : memref<10000x128xf32, #tpu.memory_space<hbm>> -> memref<10000x128xf32, #tpu.memory_space<hbm>>
      tpu.enqueue_indirect_dma source(%dma_start3A_109 : memref<10000x128xf32, #tpu.memory_space<hbm>>) target(%arg12 : memref<128x128xf32, #tpu.memory_space<vmem>>) offsets(%dma_start3A_106 : memref<128xi32, #tpu.memory_space<vmem>>) semaphore(%arg15 : memref<!tpu.dma_semaphore, #tpu.memory_space<semaphore_mem>>)
      %dma_wait3A_110 = arith.constant 0 : i32
      %dma_wait3A_111 = arith.constant 0 : i32
      %dma_wait3A_112 = tpu.memref_slice %arg7[%dma_wait3A_110, %dma_wait3A_111] : memref<8x128xi32, #tpu.memory_space<vmem>> -> memref<1x128xi32, #tpu.memory_space<vmem>>
      %dma_wait3A_113 = tpu.memref_squeeze %dma_wait3A_112 : memref<1x128xi32, #tpu.memory_space<vmem>> -> memref<128xi32, #tpu.memory_space<vmem>>
      %dma_wait3A_114 = arith.constant 0 : i32
      %dma_wait3A_115 = arith.constant 0 : i32
      %dma_wait3A_116 = tpu.memref_slice %arg2[%dma_wait3A_114, %dma_wait3A_115] : memref<10000x128xf32, #tpu.memory_space<hbm>> -> memref<10000x128xf32, #tpu.memory_space<hbm>>
      tpu.wait_indirect_dma semaphore(%arg14 : memref<!tpu.dma_semaphore, #tpu.memory_space<semaphore_mem>>) src(%dma_wait3A_116 : memref<10000x128xf32, #tpu.memory_space<hbm>>) dst(%arg11 : memref<128x128xf32, #tpu.memory_space<vmem>>)
      %run_scoped3A = arith.constant 0 : i32
      "tpu.region"() ({
        %run_scoped3A_370 = tpu.sem_alloc : memref<!tpu.dma_semaphore, #tpu.memory_space<semaphore_mem>>
        %dma_start3A_371 = arith.constant 0 : i32
        %dma_start3A_372 = tpu.memref_slice %arg8[%run_scoped3A, %dma_start3A_371] : memref<8x128xi32, #tpu.memory_space<vmem>> -> memref<1x128xi32, #tpu.memory_space<vmem>>
        %dma_start3A_373 = tpu.memref_squeeze %dma_start3A_372 : memref<1x128xi32, #tpu.memory_space<vmem>> -> memref<128xi32, #tpu.memory_space<vmem>>
        %dma_start3A_374 = arith.constant 0 : i32
        %dma_start3A_375 = arith.constant 0 : i32
        %dma_start3A_376 = tpu.memref_slice %arg13[%dma_start3A_374, %dma_start3A_375] : memref<10240x128xf32, #tpu.memory_space<vmem_shared>> -> memref<10240x128xf32, #tpu.memory_space<vmem_shared>>
        tpu.enqueue_indirect_dma source(%arg11 : memref<128x128xf32, #tpu.memory_space<vmem>>) target(%dma_start3A_376 : memref<10240x128xf32, #tpu.memory_space<vmem_shared>>) offsets(%dma_start3A_373 : memref<128xi32, #tpu.memory_space<vmem>>) semaphore(%run_scoped3A_370 : memref<!tpu.dma_semaphore, #tpu.memory_space<semaphore_mem>>) {add = true}
        %dma_wait3A_377 = arith.constant 0 : i32
        %dma_wait3A_378 = tpu.memref_slice %arg8[%run_scoped3A, %dma_wait3A_377] : memref<8x128xi32, #tpu.memory_space<vmem>> -> memref<1x128xi32, #tpu.memory_space<vmem>>
        %dma_wait3A_379 = tpu.memref_squeeze %dma_wait3A_378 : memref<1x128xi32, #tpu.memory_space<vmem>> -> memref<128xi32, #tpu.memory_space<vmem>>
        %dma_wait3A_380 = arith.constant 0 : i32
        %dma_wait3A_381 = arith.constant 0 : i32
        %dma_wait3A_382 = tpu.memref_slice %arg13[%dma_wait3A_380, %dma_wait3A_381] : memref<10240x128xf32, #tpu.memory_space<vmem_shared>> -> memref<10240x128xf32, #tpu.memory_space<vmem_shared>>
        tpu.wait_indirect_dma semaphore(%run_scoped3A_370 : memref<!tpu.dma_semaphore, #tpu.memory_space<semaphore_mem>>) src(%arg11 : memref<128x128xf32, #tpu.memory_space<vmem>>) dst(%dma_wait3A_382 : memref<10240x128xf32, #tpu.memory_space<vmem_shared>>)
        tpu.yield
      }) : () -> ()
      %dma_start3A_117 = arith.constant 2 : i32
      %dma_start3A_118 = arith.constant 0 : i32
      %dma_start3A_119 = tpu.memref_slice %arg7[%dma_start3A_117, %dma_start3A_118] : memref<8x128xi32, #tpu.memory_space<vmem>> -> memref<1x128xi32, #tpu.memory_space<vmem>>
      %dma_start3A_120 = tpu.memref_squeeze %dma_start3A_119 : memref<1x128xi32, #tpu.memory_space<vmem>> -> memref<128xi32, #tpu.memory_space<vmem>>
      %dma_start3A_121 = arith.constant 0 : i32
      %dma_start3A_122 = arith.constant 0 : i32
      %dma_start3A_123 = tpu.memref_slice %arg2[%dma_start3A_121, %dma_start3A_122] : memref<10000x128xf32, #tpu.memory_space<hbm>> -> memref<10000x128xf32, #tpu.memory_space<hbm>>
      tpu.enqueue_indirect_dma source(%dma_start3A_123 : memref<10000x128xf32, #tpu.memory_space<hbm>>) target(%arg11 : memref<128x128xf32, #tpu.memory_space<vmem>>) offsets(%dma_start3A_120 : memref<128xi32, #tpu.memory_space<vmem>>) semaphore(%arg14 : memref<!tpu.dma_semaphore, #tpu.memory_space<semaphore_mem>>)
      %dma_wait3A_124 = arith.constant 1 : i32
      %dma_wait3A_125 = arith.constant 0 : i32
      %dma_wait3A_126 = tpu.memref_slice %arg7[%dma_wait3A_124, %dma_wait3A_125] : memref<8x128xi32, #tpu.memory_space<vmem>> -> memref<1x128xi32, #tpu.memory_space<vmem>>
      %dma_wait3A_127 = tpu.memref_squeeze %dma_wait3A_126 : memref<1x128xi32, #tpu.memory_space<vmem>> -> memref<128xi32, #tpu.memory_space<vmem>>
      %dma_wait3A_128 = arith.constant 0 : i32
      %dma_wait3A_129 = arith.constant 0 : i32
      %dma_wait3A_130 = tpu.memref_slice %arg2[%dma_wait3A_128, %dma_wait3A_129] : memref<10000x128xf32, #tpu.memory_space<hbm>> -> memref<10000x128xf32, #tpu.memory_space<hbm>>
      tpu.wait_indirect_dma semaphore(%arg15 : memref<!tpu.dma_semaphore, #tpu.memory_space<semaphore_mem>>) src(%dma_wait3A_130 : memref<10000x128xf32, #tpu.memory_space<hbm>>) dst(%arg12 : memref<128x128xf32, #tpu.memory_space<vmem>>)
      %run_scoped3A_131 = arith.constant 1 : i32
      "tpu.region"() ({
        %run_scoped3A_370 = tpu.sem_alloc : memref<!tpu.dma_semaphore, #tpu.memory_space<semaphore_mem>>
        %dma_start3A_371 = arith.constant 0 : i32
        %dma_start3A_372 = tpu.memref_slice %arg8[%run_scoped3A_131, %dma_start3A_371] : memref<8x128xi32, #tpu.memory_space<vmem>> -> memref<1x128xi32, #tpu.memory_space<vmem>>
        %dma_start3A_373 = tpu.memref_squeeze %dma_start3A_372 : memref<1x128xi32, #tpu.memory_space<vmem>> -> memref<128xi32, #tpu.memory_space<vmem>>
        %dma_start3A_374 = arith.constant 0 : i32
        %dma_start3A_375 = arith.constant 0 : i32
        %dma_start3A_376 = tpu.memref_slice %arg13[%dma_start3A_374, %dma_start3A_375] : memref<10240x128xf32, #tpu.memory_space<vmem_shared>> -> memref<10240x128xf32, #tpu.memory_space<vmem_shared>>
        tpu.enqueue_indirect_dma source(%arg12 : memref<128x128xf32, #tpu.memory_space<vmem>>) target(%dma_start3A_376 : memref<10240x128xf32, #tpu.memory_space<vmem_shared>>) offsets(%dma_start3A_373 : memref<128xi32, #tpu.memory_space<vmem>>) semaphore(%run_scoped3A_370 : memref<!tpu.dma_semaphore, #tpu.memory_space<semaphore_mem>>) {add = true}
        %dma_wait3A_377 = arith.constant 0 : i32
        %dma_wait3A_378 = tpu.memref_slice %arg8[%run_scoped3A_131, %dma_wait3A_377] : memref<8x128xi32, #tpu.memory_space<vmem>> -> memref<1x128xi32, #tpu.memory_space<vmem>>
        %dma_wait3A_379 = tpu.memref_squeeze %dma_wait3A_378 : memref<1x128xi32, #tpu.memory_space<vmem>> -> memref<128xi32, #tpu.memory_space<vmem>>
        %dma_wait3A_380 = arith.constant 0 : i32
        %dma_wait3A_381 = arith.constant 0 : i32
        %dma_wait3A_382 = tpu.memref_slice %arg13[%dma_wait3A_380, %dma_wait3A_381] : memref<10240x128xf32, #tpu.memory_space<vmem_shared>> -> memref<10240x128xf32, #tpu.memory_space<vmem_shared>>
        tpu.wait_indirect_dma semaphore(%run_scoped3A_370 : memref<!tpu.dma_semaphore, #tpu.memory_space<semaphore_mem>>) src(%arg12 : memref<128x128xf32, #tpu.memory_space<vmem>>) dst(%dma_wait3A_382 : memref<10240x128xf32, #tpu.memory_space<vmem_shared>>)
        tpu.yield
      }) : () -> ()
      %dma_start3A_132 = arith.constant 3 : i32
      %dma_start3A_133 = arith.constant 0 : i32
      %dma_start3A_134 = tpu.memref_slice %arg7[%dma_start3A_132, %dma_start3A_133] : memref<8x128xi32, #tpu.memory_space<vmem>> -> memref<1x128xi32, #tpu.memory_space<vmem>>
      %dma_start3A_135 = tpu.memref_squeeze %dma_start3A_134 : memref<1x128xi32, #tpu.memory_space<vmem>> -> memref<128xi32, #tpu.memory_space<vmem>>
      %dma_start3A_136 = arith.constant 0 : i32
      %dma_start3A_137 = arith.constant 0 : i32
      %dma_start3A_138 = tpu.memref_slice %arg2[%dma_start3A_136, %dma_start3A_137] : memref<10000x128xf32, #tpu.memory_space<hbm>> -> memref<10000x128xf32, #tpu.memory_space<hbm>>
      tpu.enqueue_indirect_dma source(%dma_start3A_138 : memref<10000x128xf32, #tpu.memory_space<hbm>>) target(%arg12 : memref<128x128xf32, #tpu.memory_space<vmem>>) offsets(%dma_start3A_135 : memref<128xi32, #tpu.memory_space<vmem>>) semaphore(%arg15 : memref<!tpu.dma_semaphore, #tpu.memory_space<semaphore_mem>>)
      %dma_wait3A_139 = arith.constant 2 : i32
      %dma_wait3A_140 = arith.constant 0 : i32
      %dma_wait3A_141 = tpu.memref_slice %arg7[%dma_wait3A_139, %dma_wait3A_140] : memref<8x128xi32, #tpu.memory_space<vmem>> -> memref<1x128xi32, #tpu.memory_space<vmem>>
      %dma_wait3A_142 = tpu.memref_squeeze %dma_wait3A_141 : memref<1x128xi32, #tpu.memory_space<vmem>> -> memref<128xi32, #tpu.memory_space<vmem>>
      %dma_wait3A_143 = arith.constant 0 : i32
      %dma_wait3A_144 = arith.constant 0 : i32
      %dma_wait3A_145 = tpu.memref_slice %arg2[%dma_wait3A_143, %dma_wait3A_144] : memref<10000x128xf32, #tpu.memory_space<hbm>> -> memref<10000x128xf32, #tpu.memory_space<hbm>>
      tpu.wait_indirect_dma semaphore(%arg14 : memref<!tpu.dma_semaphore, #tpu.memory_space<semaphore_mem>>) src(%dma_wait3A_145 : memref<10000x128xf32, #tpu.memory_space<hbm>>) dst(%arg11 : memref<128x128xf32, #tpu.memory_space<vmem>>)
      %run_scoped3A_146 = arith.constant 2 : i32
      "tpu.region"() ({
        %run_scoped3A_370 = tpu.sem_alloc : memref<!tpu.dma_semaphore, #tpu.memory_space<semaphore_mem>>
        %dma_start3A_371 = arith.constant 0 : i32
        %dma_start3A_372 = tpu.memref_slice %arg8[%run_scoped3A_146, %dma_start3A_371] : memref<8x128xi32, #tpu.memory_space<vmem>> -> memref<1x128xi32, #tpu.memory_space<vmem>>
        %dma_start3A_373 = tpu.memref_squeeze %dma_start3A_372 : memref<1x128xi32, #tpu.memory_space<vmem>> -> memref<128xi32, #tpu.memory_space<vmem>>
        %dma_start3A_374 = arith.constant 0 : i32
        %dma_start3A_375 = arith.constant 0 : i32
        %dma_start3A_376 = tpu.memref_slice %arg13[%dma_start3A_374, %dma_start3A_375] : memref<10240x128xf32, #tpu.memory_space<vmem_shared>> -> memref<10240x128xf32, #tpu.memory_space<vmem_shared>>
        tpu.enqueue_indirect_dma source(%arg11 : memref<128x128xf32, #tpu.memory_space<vmem>>) target(%dma_start3A_376 : memref<10240x128xf32, #tpu.memory_space<vmem_shared>>) offsets(%dma_start3A_373 : memref<128xi32, #tpu.memory_space<vmem>>) semaphore(%run_scoped3A_370 : memref<!tpu.dma_semaphore, #tpu.memory_space<semaphore_mem>>) {add = true}
        %dma_wait3A_377 = arith.constant 0 : i32
        %dma_wait3A_378 = tpu.memref_slice %arg8[%run_scoped3A_146, %dma_wait3A_377] : memref<8x128xi32, #tpu.memory_space<vmem>> -> memref<1x128xi32, #tpu.memory_space<vmem>>
        %dma_wait3A_379 = tpu.memref_squeeze %dma_wait3A_378 : memref<1x128xi32, #tpu.memory_space<vmem>> -> memref<128xi32, #tpu.memory_space<vmem>>
        %dma_wait3A_380 = arith.constant 0 : i32
        %dma_wait3A_381 = arith.constant 0 : i32
        %dma_wait3A_382 = tpu.memref_slice %arg13[%dma_wait3A_380, %dma_wait3A_381] : memref<10240x128xf32, #tpu.memory_space<vmem_shared>> -> memref<10240x128xf32, #tpu.memory_space<vmem_shared>>
        tpu.wait_indirect_dma semaphore(%run_scoped3A_370 : memref<!tpu.dma_semaphore, #tpu.memory_space<semaphore_mem>>) src(%arg11 : memref<128x128xf32, #tpu.memory_space<vmem>>) dst(%dma_wait3A_382 : memref<10240x128xf32, #tpu.memory_space<vmem_shared>>)
        tpu.yield
      }) : () -> ()
      %dma_start3A_147 = arith.constant 4 : i32
      %dma_start3A_148 = arith.constant 0 : i32
      %dma_start3A_149 = tpu.memref_slice %arg7[%dma_start3A_147, %dma_start3A_148] : memref<8x128xi32, #tpu.memory_space<vmem>> -> memref<1x128xi32, #tpu.memory_space<vmem>>
      %dma_start3A_150 = tpu.memref_squeeze %dma_start3A_149 : memref<1x128xi32, #tpu.memory_space<vmem>> -> memref<128xi32, #tpu.memory_space<vmem>>
      %dma_start3A_151 = arith.constant 0 : i32
      %dma_start3A_152 = arith.constant 0 : i32
      %dma_start3A_153 = tpu.memref_slice %arg2[%dma_start3A_151, %dma_start3A_152] : memref<10000x128xf32, #tpu.memory_space<hbm>> -> memref<10000x128xf32, #tpu.memory_space<hbm>>
      tpu.enqueue_indirect_dma source(%dma_start3A_153 : memref<10000x128xf32, #tpu.memory_space<hbm>>) target(%arg11 : memref<128x128xf32, #tpu.memory_space<vmem>>) offsets(%dma_start3A_150 : memref<128xi32, #tpu.memory_space<vmem>>) semaphore(%arg14 : memref<!tpu.dma_semaphore, #tpu.memory_space<semaphore_mem>>)
      %dma_wait3A_154 = arith.constant 3 : i32
      %dma_wait3A_155 = arith.constant 0 : i32
      %dma_wait3A_156 = tpu.memref_slice %arg7[%dma_wait3A_154, %dma_wait3A_155] : memref<8x128xi32, #tpu.memory_space<vmem>> -> memref<1x128xi32, #tpu.memory_space<vmem>>
      %dma_wait3A_157 = tpu.memref_squeeze %dma_wait3A_156 : memref<1x128xi32, #tpu.memory_space<vmem>> -> memref<128xi32, #tpu.memory_space<vmem>>
      %dma_wait3A_158 = arith.constant 0 : i32
      %dma_wait3A_159 = arith.constant 0 : i32
      %dma_wait3A_160 = tpu.memref_slice %arg2[%dma_wait3A_158, %dma_wait3A_159] : memref<10000x128xf32, #tpu.memory_space<hbm>> -> memref<10000x128xf32, #tpu.memory_space<hbm>>
      tpu.wait_indirect_dma semaphore(%arg15 : memref<!tpu.dma_semaphore, #tpu.memory_space<semaphore_mem>>) src(%dma_wait3A_160 : memref<10000x128xf32, #tpu.memory_space<hbm>>) dst(%arg12 : memref<128x128xf32, #tpu.memory_space<vmem>>)
      %run_scoped3A_161 = arith.constant 3 : i32
      "tpu.region"() ({
        %run_scoped3A_370 = tpu.sem_alloc : memref<!tpu.dma_semaphore, #tpu.memory_space<semaphore_mem>>
        %dma_start3A_371 = arith.constant 0 : i32
        %dma_start3A_372 = tpu.memref_slice %arg8[%run_scoped3A_161, %dma_start3A_371] : memref<8x128xi32, #tpu.memory_space<vmem>> -> memref<1x128xi32, #tpu.memory_space<vmem>>
        %dma_start3A_373 = tpu.memref_squeeze %dma_start3A_372 : memref<1x128xi32, #tpu.memory_space<vmem>> -> memref<128xi32, #tpu.memory_space<vmem>>
        %dma_start3A_374 = arith.constant 0 : i32
        %dma_start3A_375 = arith.constant 0 : i32
        %dma_start3A_376 = tpu.memref_slice %arg13[%dma_start3A_374, %dma_start3A_375] : memref<10240x128xf32, #tpu.memory_space<vmem_shared>> -> memref<10240x128xf32, #tpu.memory_space<vmem_shared>>
        tpu.enqueue_indirect_dma source(%arg12 : memref<128x128xf32, #tpu.memory_space<vmem>>) target(%dma_start3A_376 : memref<10240x128xf32, #tpu.memory_space<vmem_shared>>) offsets(%dma_start3A_373 : memref<128xi32, #tpu.memory_space<vmem>>) semaphore(%run_scoped3A_370 : memref<!tpu.dma_semaphore, #tpu.memory_space<semaphore_mem>>) {add = true}
        %dma_wait3A_377 = arith.constant 0 : i32
        %dma_wait3A_378 = tpu.memref_slice %arg8[%run_scoped3A_161, %dma_wait3A_377] : memref<8x128xi32, #tpu.memory_space<vmem>> -> memref<1x128xi32, #tpu.memory_space<vmem>>
        %dma_wait3A_379 = tpu.memref_squeeze %dma_wait3A_378 : memref<1x128xi32, #tpu.memory_space<vmem>> -> memref<128xi32, #tpu.memory_space<vmem>>
        %dma_wait3A_380 = arith.constant 0 : i32
        %dma_wait3A_381 = arith.constant 0 : i32
        %dma_wait3A_382 = tpu.memref_slice %arg13[%dma_wait3A_380, %dma_wait3A_381] : memref<10240x128xf32, #tpu.memory_space<vmem_shared>> -> memref<10240x128xf32, #tpu.memory_space<vmem_shared>>
        tpu.wait_indirect_dma semaphore(%run_scoped3A_370 : memref<!tpu.dma_semaphore, #tpu.memory_space<semaphore_mem>>) src(%arg12 : memref<128x128xf32, #tpu.memory_space<vmem>>) dst(%dma_wait3A_382 : memref<10240x128xf32, #tpu.memory_space<vmem_shared>>)
        tpu.yield
      }) : () -> ()
      %dma_start3A_162 = arith.constant 5 : i32
      %dma_start3A_163 = arith.constant 0 : i32
      %dma_start3A_164 = tpu.memref_slice %arg7[%dma_start3A_162, %dma_start3A_163] : memref<8x128xi32, #tpu.memory_space<vmem>> -> memref<1x128xi32, #tpu.memory_space<vmem>>
      %dma_start3A_165 = tpu.memref_squeeze %dma_start3A_164 : memref<1x128xi32, #tpu.memory_space<vmem>> -> memref<128xi32, #tpu.memory_space<vmem>>
      %dma_start3A_166 = arith.constant 0 : i32
      %dma_start3A_167 = arith.constant 0 : i32
      %dma_start3A_168 = tpu.memref_slice %arg2[%dma_start3A_166, %dma_start3A_167] : memref<10000x128xf32, #tpu.memory_space<hbm>> -> memref<10000x128xf32, #tpu.memory_space<hbm>>
      tpu.enqueue_indirect_dma source(%dma_start3A_168 : memref<10000x128xf32, #tpu.memory_space<hbm>>) target(%arg12 : memref<128x128xf32, #tpu.memory_space<vmem>>) offsets(%dma_start3A_165 : memref<128xi32, #tpu.memory_space<vmem>>) semaphore(%arg15 : memref<!tpu.dma_semaphore, #tpu.memory_space<semaphore_mem>>)
      %dma_wait3A_169 = arith.constant 4 : i32
      %dma_wait3A_170 = arith.constant 0 : i32
      %dma_wait3A_171 = tpu.memref_slice %arg7[%dma_wait3A_169, %dma_wait3A_170] : memref<8x128xi32, #tpu.memory_space<vmem>> -> memref<1x128xi32, #tpu.memory_space<vmem>>
      %dma_wait3A_172 = tpu.memref_squeeze %dma_wait3A_171 : memref<1x128xi32, #tpu.memory_space<vmem>> -> memref<128xi32, #tpu.memory_space<vmem>>
      %dma_wait3A_173 = arith.constant 0 : i32
      %dma_wait3A_174 = arith.constant 0 : i32
      %dma_wait3A_175 = tpu.memref_slice %arg2[%dma_wait3A_173, %dma_wait3A_174] : memref<10000x128xf32, #tpu.memory_space<hbm>> -> memref<10000x128xf32, #tpu.memory_space<hbm>>
      tpu.wait_indirect_dma semaphore(%arg14 : memref<!tpu.dma_semaphore, #tpu.memory_space<semaphore_mem>>) src(%dma_wait3A_175 : memref<10000x128xf32, #tpu.memory_space<hbm>>) dst(%arg11 : memref<128x128xf32, #tpu.memory_space<vmem>>)
      %run_scoped3A_176 = arith.constant 4 : i32
      "tpu.region"() ({
        %run_scoped3A_370 = tpu.sem_alloc : memref<!tpu.dma_semaphore, #tpu.memory_space<semaphore_mem>>
        %dma_start3A_371 = arith.constant 0 : i32
        %dma_start3A_372 = tpu.memref_slice %arg8[%run_scoped3A_176, %dma_start3A_371] : memref<8x128xi32, #tpu.memory_space<vmem>> -> memref<1x128xi32, #tpu.memory_space<vmem>>
        %dma_start3A_373 = tpu.memref_squeeze %dma_start3A_372 : memref<1x128xi32, #tpu.memory_space<vmem>> -> memref<128xi32, #tpu.memory_space<vmem>>
        %dma_start3A_374 = arith.constant 0 : i32
        %dma_start3A_375 = arith.constant 0 : i32
        %dma_start3A_376 = tpu.memref_slice %arg13[%dma_start3A_374, %dma_start3A_375] : memref<10240x128xf32, #tpu.memory_space<vmem_shared>> -> memref<10240x128xf32, #tpu.memory_space<vmem_shared>>
        tpu.enqueue_indirect_dma source(%arg11 : memref<128x128xf32, #tpu.memory_space<vmem>>) target(%dma_start3A_376 : memref<10240x128xf32, #tpu.memory_space<vmem_shared>>) offsets(%dma_start3A_373 : memref<128xi32, #tpu.memory_space<vmem>>) semaphore(%run_scoped3A_370 : memref<!tpu.dma_semaphore, #tpu.memory_space<semaphore_mem>>) {add = true}
        %dma_wait3A_377 = arith.constant 0 : i32
        %dma_wait3A_378 = tpu.memref_slice %arg8[%run_scoped3A_176, %dma_wait3A_377] : memref<8x128xi32, #tpu.memory_space<vmem>> -> memref<1x128xi32, #tpu.memory_space<vmem>>
        %dma_wait3A_379 = tpu.memref_squeeze %dma_wait3A_378 : memref<1x128xi32, #tpu.memory_space<vmem>> -> memref<128xi32, #tpu.memory_space<vmem>>
        %dma_wait3A_380 = arith.constant 0 : i32
        %dma_wait3A_381 = arith.constant 0 : i32
        %dma_wait3A_382 = tpu.memref_slice %arg13[%dma_wait3A_380, %dma_wait3A_381] : memref<10240x128xf32, #tpu.memory_space<vmem_shared>> -> memref<10240x128xf32, #tpu.memory_space<vmem_shared>>
        tpu.wait_indirect_dma semaphore(%run_scoped3A_370 : memref<!tpu.dma_semaphore, #tpu.memory_space<semaphore_mem>>) src(%arg11 : memref<128x128xf32, #tpu.memory_space<vmem>>) dst(%dma_wait3A_382 : memref<10240x128xf32, #tpu.memory_space<vmem_shared>>)
        tpu.yield
      }) : () -> ()
      %dma_start3A_177 = arith.constant 6 : i32
      %dma_start3A_178 = arith.constant 0 : i32
      %dma_start3A_179 = tpu.memref_slice %arg7[%dma_start3A_177, %dma_start3A_178] : memref<8x128xi32, #tpu.memory_space<vmem>> -> memref<1x128xi32, #tpu.memory_space<vmem>>
      %dma_start3A_180 = tpu.memref_squeeze %dma_start3A_179 : memref<1x128xi32, #tpu.memory_space<vmem>> -> memref<128xi32, #tpu.memory_space<vmem>>
      %dma_start3A_181 = arith.constant 0 : i32
      %dma_start3A_182 = arith.constant 0 : i32
      %dma_start3A_183 = tpu.memref_slice %arg2[%dma_start3A_181, %dma_start3A_182] : memref<10000x128xf32, #tpu.memory_space<hbm>> -> memref<10000x128xf32, #tpu.memory_space<hbm>>
      tpu.enqueue_indirect_dma source(%dma_start3A_183 : memref<10000x128xf32, #tpu.memory_space<hbm>>) target(%arg11 : memref<128x128xf32, #tpu.memory_space<vmem>>) offsets(%dma_start3A_180 : memref<128xi32, #tpu.memory_space<vmem>>) semaphore(%arg14 : memref<!tpu.dma_semaphore, #tpu.memory_space<semaphore_mem>>)
      %dma_wait3A_184 = arith.constant 5 : i32
      %dma_wait3A_185 = arith.constant 0 : i32
      %dma_wait3A_186 = tpu.memref_slice %arg7[%dma_wait3A_184, %dma_wait3A_185] : memref<8x128xi32, #tpu.memory_space<vmem>> -> memref<1x128xi32, #tpu.memory_space<vmem>>
      %dma_wait3A_187 = tpu.memref_squeeze %dma_wait3A_186 : memref<1x128xi32, #tpu.memory_space<vmem>> -> memref<128xi32, #tpu.memory_space<vmem>>
      %dma_wait3A_188 = arith.constant 0 : i32
      %dma_wait3A_189 = arith.constant 0 : i32
      %dma_wait3A_190 = tpu.memref_slice %arg2[%dma_wait3A_188, %dma_wait3A_189] : memref<10000x128xf32, #tpu.memory_space<hbm>> -> memref<10000x128xf32, #tpu.memory_space<hbm>>
      tpu.wait_indirect_dma semaphore(%arg15 : memref<!tpu.dma_semaphore, #tpu.memory_space<semaphore_mem>>) src(%dma_wait3A_190 : memref<10000x128xf32, #tpu.memory_space<hbm>>) dst(%arg12 : memref<128x128xf32, #tpu.memory_space<vmem>>)
      %run_scoped3A_191 = arith.constant 5 : i32
      "tpu.region"() ({
        %run_scoped3A_370 = tpu.sem_alloc : memref<!tpu.dma_semaphore, #tpu.memory_space<semaphore_mem>>
        %dma_start3A_371 = arith.constant 0 : i32
        %dma_start3A_372 = tpu.memref_slice %arg8[%run_scoped3A_191, %dma_start3A_371] : memref<8x128xi32, #tpu.memory_space<vmem>> -> memref<1x128xi32, #tpu.memory_space<vmem>>
        %dma_start3A_373 = tpu.memref_squeeze %dma_start3A_372 : memref<1x128xi32, #tpu.memory_space<vmem>> -> memref<128xi32, #tpu.memory_space<vmem>>
        %dma_start3A_374 = arith.constant 0 : i32
        %dma_start3A_375 = arith.constant 0 : i32
        %dma_start3A_376 = tpu.memref_slice %arg13[%dma_start3A_374, %dma_start3A_375] : memref<10240x128xf32, #tpu.memory_space<vmem_shared>> -> memref<10240x128xf32, #tpu.memory_space<vmem_shared>>
        tpu.enqueue_indirect_dma source(%arg12 : memref<128x128xf32, #tpu.memory_space<vmem>>) target(%dma_start3A_376 : memref<10240x128xf32, #tpu.memory_space<vmem_shared>>) offsets(%dma_start3A_373 : memref<128xi32, #tpu.memory_space<vmem>>) semaphore(%run_scoped3A_370 : memref<!tpu.dma_semaphore, #tpu.memory_space<semaphore_mem>>) {add = true}
        %dma_wait3A_377 = arith.constant 0 : i32
        %dma_wait3A_378 = tpu.memref_slice %arg8[%run_scoped3A_191, %dma_wait3A_377] : memref<8x128xi32, #tpu.memory_space<vmem>> -> memref<1x128xi32, #tpu.memory_space<vmem>>
        %dma_wait3A_379 = tpu.memref_squeeze %dma_wait3A_378 : memref<1x128xi32, #tpu.memory_space<vmem>> -> memref<128xi32, #tpu.memory_space<vmem>>
        %dma_wait3A_380 = arith.constant 0 : i32
        %dma_wait3A_381 = arith.constant 0 : i32
        %dma_wait3A_382 = tpu.memref_slice %arg13[%dma_wait3A_380, %dma_wait3A_381] : memref<10240x128xf32, #tpu.memory_space<vmem_shared>> -> memref<10240x128xf32, #tpu.memory_space<vmem_shared>>
        tpu.wait_indirect_dma semaphore(%run_scoped3A_370 : memref<!tpu.dma_semaphore, #tpu.memory_space<semaphore_mem>>) src(%arg12 : memref<128x128xf32, #tpu.memory_space<vmem>>) dst(%dma_wait3A_382 : memref<10240x128xf32, #tpu.memory_space<vmem_shared>>)
        tpu.yield
      }) : () -> ()
      %dma_start3A_192 = arith.constant 7 : i32
      %dma_start3A_193 = arith.constant 0 : i32
      %dma_start3A_194 = tpu.memref_slice %arg7[%dma_start3A_192, %dma_start3A_193] : memref<8x128xi32, #tpu.memory_space<vmem>> -> memref<1x128xi32, #tpu.memory_space<vmem>>
      %dma_start3A_195 = tpu.memref_squeeze %dma_start3A_194 : memref<1x128xi32, #tpu.memory_space<vmem>> -> memref<128xi32, #tpu.memory_space<vmem>>
      %dma_start3A_196 = arith.constant 0 : i32
      %dma_start3A_197 = arith.constant 0 : i32
      %dma_start3A_198 = tpu.memref_slice %arg2[%dma_start3A_196, %dma_start3A_197] : memref<10000x128xf32, #tpu.memory_space<hbm>> -> memref<10000x128xf32, #tpu.memory_space<hbm>>
      tpu.enqueue_indirect_dma source(%dma_start3A_198 : memref<10000x128xf32, #tpu.memory_space<hbm>>) target(%arg12 : memref<128x128xf32, #tpu.memory_space<vmem>>) offsets(%dma_start3A_195 : memref<128xi32, #tpu.memory_space<vmem>>) semaphore(%arg15 : memref<!tpu.dma_semaphore, #tpu.memory_space<semaphore_mem>>)
      %dma_wait3A_199 = arith.constant 6 : i32
      %dma_wait3A_200 = arith.constant 0 : i32
      %dma_wait3A_201 = tpu.memref_slice %arg7[%dma_wait3A_199, %dma_wait3A_200] : memref<8x128xi32, #tpu.memory_space<vmem>> -> memref<1x128xi32, #tpu.memory_space<vmem>>
      %dma_wait3A_202 = tpu.memref_squeeze %dma_wait3A_201 : memref<1x128xi32, #tpu.memory_space<vmem>> -> memref<128xi32, #tpu.memory_space<vmem>>
      %dma_wait3A_203 = arith.constant 0 : i32
      %dma_wait3A_204 = arith.constant 0 : i32
      %dma_wait3A_205 = tpu.memref_slice %arg2[%dma_wait3A_203, %dma_wait3A_204] : memref<10000x128xf32, #tpu.memory_space<hbm>> -> memref<10000x128xf32, #tpu.memory_space<hbm>>
      tpu.wait_indirect_dma semaphore(%arg14 : memref<!tpu.dma_semaphore, #tpu.memory_space<semaphore_mem>>) src(%dma_wait3A_205 : memref<10000x128xf32, #tpu.memory_space<hbm>>) dst(%arg11 : memref<128x128xf32, #tpu.memory_space<vmem>>)
      %run_scoped3A_206 = arith.constant 6 : i32
      "tpu.region"() ({
        %run_scoped3A_370 = tpu.sem_alloc : memref<!tpu.dma_semaphore, #tpu.memory_space<semaphore_mem>>
        %dma_start3A_371 = arith.constant 0 : i32
        %dma_start3A_372 = tpu.memref_slice %arg8[%run_scoped3A_206, %dma_start3A_371] : memref<8x128xi32, #tpu.memory_space<vmem>> -> memref<1x128xi32, #tpu.memory_space<vmem>>
        %dma_start3A_373 = tpu.memref_squeeze %dma_start3A_372 : memref<1x128xi32, #tpu.memory_space<vmem>> -> memref<128xi32, #tpu.memory_space<vmem>>
        %dma_start3A_374 = arith.constant 0 : i32
        %dma_start3A_375 = arith.constant 0 : i32
        %dma_start3A_376 = tpu.memref_slice %arg13[%dma_start3A_374, %dma_start3A_375] : memref<10240x128xf32, #tpu.memory_space<vmem_shared>> -> memref<10240x128xf32, #tpu.memory_space<vmem_shared>>
        tpu.enqueue_indirect_dma source(%arg11 : memref<128x128xf32, #tpu.memory_space<vmem>>) target(%dma_start3A_376 : memref<10240x128xf32, #tpu.memory_space<vmem_shared>>) offsets(%dma_start3A_373 : memref<128xi32, #tpu.memory_space<vmem>>) semaphore(%run_scoped3A_370 : memref<!tpu.dma_semaphore, #tpu.memory_space<semaphore_mem>>) {add = true}
        %dma_wait3A_377 = arith.constant 0 : i32
        %dma_wait3A_378 = tpu.memref_slice %arg8[%run_scoped3A_206, %dma_wait3A_377] : memref<8x128xi32, #tpu.memory_space<vmem>> -> memref<1x128xi32, #tpu.memory_space<vmem>>
        %dma_wait3A_379 = tpu.memref_squeeze %dma_wait3A_378 : memref<1x128xi32, #tpu.memory_space<vmem>> -> memref<128xi32, #tpu.memory_space<vmem>>
        %dma_wait3A_380 = arith.constant 0 : i32
        %dma_wait3A_381 = arith.constant 0 : i32
        %dma_wait3A_382 = tpu.memref_slice %arg13[%dma_wait3A_380, %dma_wait3A_381] : memref<10240x128xf32, #tpu.memory_space<vmem_shared>> -> memref<10240x128xf32, #tpu.memory_space<vmem_shared>>
        tpu.wait_indirect_dma semaphore(%run_scoped3A_370 : memref<!tpu.dma_semaphore, #tpu.memory_space<semaphore_mem>>) src(%arg11 : memref<128x128xf32, #tpu.memory_space<vmem>>) dst(%dma_wait3A_382 : memref<10240x128xf32, #tpu.memory_space<vmem_shared>>)
        tpu.yield
      }) : () -> ()
      %dma_wait3A_207 = arith.constant 7 : i32
      %dma_wait3A_208 = arith.constant 0 : i32
      %dma_wait3A_209 = tpu.memref_slice %arg7[%dma_wait3A_207, %dma_wait3A_208] : memref<8x128xi32, #tpu.memory_space<vmem>> -> memref<1x128xi32, #tpu.memory_space<vmem>>
      %dma_wait3A_210 = tpu.memref_squeeze %dma_wait3A_209 : memref<1x128xi32, #tpu.memory_space<vmem>> -> memref<128xi32, #tpu.memory_space<vmem>>
      %dma_wait3A_211 = arith.constant 0 : i32
      %dma_wait3A_212 = arith.constant 0 : i32
      %dma_wait3A_213 = tpu.memref_slice %arg2[%dma_wait3A_211, %dma_wait3A_212] : memref<10000x128xf32, #tpu.memory_space<hbm>> -> memref<10000x128xf32, #tpu.memory_space<hbm>>
      tpu.wait_indirect_dma semaphore(%arg15 : memref<!tpu.dma_semaphore, #tpu.memory_space<semaphore_mem>>) src(%dma_wait3A_213 : memref<10000x128xf32, #tpu.memory_space<hbm>>) dst(%arg12 : memref<128x128xf32, #tpu.memory_space<vmem>>)
      %run_scoped3A_214 = arith.constant 7 : i32
      "tpu.region"() ({
        %run_scoped3A_370 = tpu.sem_alloc : memref<!tpu.dma_semaphore, #tpu.memory_space<semaphore_mem>>
        %dma_start3A_371 = arith.constant 0 : i32
        %dma_start3A_372 = tpu.memref_slice %arg8[%run_scoped3A_214, %dma_start3A_371] : memref<8x128xi32, #tpu.memory_space<vmem>> -> memref<1x128xi32, #tpu.memory_space<vmem>>
        %dma_start3A_373 = tpu.memref_squeeze %dma_start3A_372 : memref<1x128xi32, #tpu.memory_space<vmem>> -> memref<128xi32, #tpu.memory_space<vmem>>
        %dma_start3A_374 = arith.constant 0 : i32
        %dma_start3A_375 = arith.constant 0 : i32
        %dma_start3A_376 = tpu.memref_slice %arg13[%dma_start3A_374, %dma_start3A_375] : memref<10240x128xf32, #tpu.memory_space<vmem_shared>> -> memref<10240x128xf32, #tpu.memory_space<vmem_shared>>
        tpu.enqueue_indirect_dma source(%arg12 : memref<128x128xf32, #tpu.memory_space<vmem>>) target(%dma_start3A_376 : memref<10240x128xf32, #tpu.memory_space<vmem_shared>>) offsets(%dma_start3A_373 : memref<128xi32, #tpu.memory_space<vmem>>) semaphore(%run_scoped3A_370 : memref<!tpu.dma_semaphore, #tpu.memory_space<semaphore_mem>>) {add = true}
        %dma_wait3A_377 = arith.constant 0 : i32
        %dma_wait3A_378 = tpu.memref_slice %arg8[%run_scoped3A_214, %dma_wait3A_377] : memref<8x128xi32, #tpu.memory_space<vmem>> -> memref<1x128xi32, #tpu.memory_space<vmem>>
        %dma_wait3A_379 = tpu.memref_squeeze %dma_wait3A_378 : memref<1x128xi32, #tpu.memory_space<vmem>> -> memref<128xi32, #tpu.memory_space<vmem>>
        %dma_wait3A_380 = arith.constant 0 : i32
        %dma_wait3A_381 = arith.constant 0 : i32
        %dma_wait3A_382 = tpu.memref_slice %arg13[%dma_wait3A_380, %dma_wait3A_381] : memref<10240x128xf32, #tpu.memory_space<vmem_shared>> -> memref<10240x128xf32, #tpu.memory_space<vmem_shared>>
        tpu.wait_indirect_dma semaphore(%run_scoped3A_370 : memref<!tpu.dma_semaphore, #tpu.memory_space<semaphore_mem>>) src(%arg12 : memref<128x128xf32, #tpu.memory_space<vmem>>) dst(%dma_wait3A_382 : memref<10240x128xf32, #tpu.memory_space<vmem_shared>>)
        tpu.yield
      }) : () -> ()
      %add3A_215 = arith.constant 2 : i32
      %add3A_216 = arith.addi %mul3A_78, %add3A_215 : i32
      %lt3A = arith.constant 10 : i32
      %lt3A_217 = arith.cmpi slt, %add3A_216, %lt3A : i32
      %convert_element_type3A_218 = arith.extui %lt3A_217 : i1 to i32
      %cond3A_219 = arith.constant 0 : i32
      %cond3A_220 = arith.cmpi ne, %convert_element_type3A_218, %cond3A_219 : i32
      scf.if %cond3A_220 {
        %add3A_370 = arith.constant 2 : i32
        %add3A_371 = arith.addi %mul3A_78, %add3A_370 : i32
        %dma_start3A_372 = arith.constant 0 : i32
        %dma_start3A_373 = arith.constant 0 : i32
        %dma_start3A_374 = tpu.memref_slice %arg3[%add3A, %add3A_371, %dma_start3A_372, %dma_start3A_373] : memref<32x10x8x128xi32, #tpu.memory_space<hbm>> -> memref<1x1x8x128xi32, #tpu.memory_space<hbm>>
        %dma_start3A_375 = tpu.memref_squeeze %dma_start3A_374 : memref<1x1x8x128xi32, #tpu.memory_space<hbm>> -> memref<8x128xi32, #tpu.memory_space<hbm>>
        %dma_start3A_376 = arith.constant 0 : i32
        %dma_start3A_377 = arith.constant 0 : i32
        %dma_start3A_378 = tpu.memref_slice %arg3[%add3A, %add3A_371, %dma_start3A_376, %dma_start3A_377] : memref<32x10x8x128xi32, #tpu.memory_space<hbm>> -> memref<1x1x8x128xi32, #tpu.memory_space<hbm>>
        %dma_start3A_379 = tpu.memref_squeeze %dma_start3A_378 : memref<1x1x8x128xi32, #tpu.memory_space<hbm>> -> memref<8x128xi32, #tpu.memory_space<hbm>>
        tpu.enqueue_dma source(%dma_start3A_379 : memref<8x128xi32, #tpu.memory_space<hbm>>) target(%arg7 : memref<8x128xi32, #tpu.memory_space<vmem>>) target_semaphore(%arg16 : memref<!tpu.dma_semaphore, #tpu.memory_space<semaphore_mem>>)
        %add3A_380 = arith.constant 2 : i32
        %add3A_381 = arith.addi %mul3A_78, %add3A_380 : i32
        %dma_start3A_382 = arith.constant 0 : i32
        %dma_start3A_383 = arith.constant 0 : i32
        %dma_start3A_384 = tpu.memref_slice %arg4[%add3A, %add3A_381, %dma_start3A_382, %dma_start3A_383] : memref<32x10x8x128xi32, #tpu.memory_space<hbm>> -> memref<1x1x8x128xi32, #tpu.memory_space<hbm>>
        %dma_start3A_385 = tpu.memref_squeeze %dma_start3A_384 : memref<1x1x8x128xi32, #tpu.memory_space<hbm>> -> memref<8x128xi32, #tpu.memory_space<hbm>>
        %dma_start3A_386 = arith.constant 0 : i32
        %dma_start3A_387 = arith.constant 0 : i32
        %dma_start3A_388 = tpu.memref_slice %arg4[%add3A, %add3A_381, %dma_start3A_386, %dma_start3A_387] : memref<32x10x8x128xi32, #tpu.memory_space<hbm>> -> memref<1x1x8x128xi32, #tpu.memory_space<hbm>>
        %dma_start3A_389 = tpu.memref_squeeze %dma_start3A_388 : memref<1x1x8x128xi32, #tpu.memory_space<hbm>> -> memref<8x128xi32, #tpu.memory_space<hbm>>
        tpu.enqueue_dma source(%dma_start3A_389 : memref<8x128xi32, #tpu.memory_space<hbm>>) target(%arg8 : memref<8x128xi32, #tpu.memory_space<vmem>>) target_semaphore(%arg16 : memref<!tpu.dma_semaphore, #tpu.memory_space<semaphore_mem>>)
      } else {
      }
      %mul3A_221 = arith.constant 2 : i32
      %mul3A_222 = arith.muli %mul3A_221, %scan3A_76 : i32
      %add3A_223 = arith.constant 1 : i32
      %add3A_224 = arith.addi %mul3A_222, %add3A_223 : i32
      %dma_wait3A_225 = arith.constant 0 : i32
      %dma_wait3A_226 = arith.constant 0 : i32
      %dma_wait3A_227 = arith.constant 0 : i32
      %dma_wait3A_228 = tpu.memref_slice %arg3[%add3A, %dma_wait3A_225, %dma_wait3A_226, %dma_wait3A_227] : memref<32x10x8x128xi32, #tpu.memory_space<hbm>> -> memref<1x1x8x128xi32, #tpu.memory_space<hbm>>
      %dma_wait3A_229 = tpu.memref_squeeze %dma_wait3A_228 : memref<1x1x8x128xi32, #tpu.memory_space<hbm>> -> memref<8x128xi32, #tpu.memory_space<hbm>>
      %dma_wait3A_230 = arith.constant 0 : i32
      %dma_wait3A_231 = arith.constant 0 : i32
      %dma_wait3A_232 = tpu.memref_slice %arg3[%add3A, %dma_wait3A_225, %dma_wait3A_230, %dma_wait3A_231] : memref<32x10x8x128xi32, #tpu.memory_space<hbm>> -> memref<1x1x8x128xi32, #tpu.memory_space<hbm>>
      %dma_wait3A_233 = tpu.memref_squeeze %dma_wait3A_232 : memref<1x1x8x128xi32, #tpu.memory_space<hbm>> -> memref<8x128xi32, #tpu.memory_space<hbm>>
      tpu.wait_dma2 semaphore(%arg17 : memref<!tpu.dma_semaphore, #tpu.memory_space<semaphore_mem>>) src(%dma_wait3A_233 : memref<8x128xi32, #tpu.memory_space<hbm>>) dst(%arg9 : memref<8x128xi32, #tpu.memory_space<vmem>>)
      %dma_wait3A_234 = arith.constant 0 : i32
      %dma_wait3A_235 = arith.constant 0 : i32
      %dma_wait3A_236 = arith.constant 0 : i32
      %dma_wait3A_237 = tpu.memref_slice %arg4[%add3A, %dma_wait3A_234, %dma_wait3A_235, %dma_wait3A_236] : memref<32x10x8x128xi32, #tpu.memory_space<hbm>> -> memref<1x1x8x128xi32, #tpu.memory_space<hbm>>
      %dma_wait3A_238 = tpu.memref_squeeze %dma_wait3A_237 : memref<1x1x8x128xi32, #tpu.memory_space<hbm>> -> memref<8x128xi32, #tpu.memory_space<hbm>>
      %dma_wait3A_239 = arith.constant 0 : i32
      %dma_wait3A_240 = arith.constant 0 : i32
      %dma_wait3A_241 = tpu.memref_slice %arg4[%add3A, %dma_wait3A_234, %dma_wait3A_239, %dma_wait3A_240] : memref<32x10x8x128xi32, #tpu.memory_space<hbm>> -> memref<1x1x8x128xi32, #tpu.memory_space<hbm>>
      %dma_wait3A_242 = tpu.memref_squeeze %dma_wait3A_241 : memref<1x1x8x128xi32, #tpu.memory_space<hbm>> -> memref<8x128xi32, #tpu.memory_space<hbm>>
      tpu.wait_dma2 semaphore(%arg17 : memref<!tpu.dma_semaphore, #tpu.memory_space<semaphore_mem>>) src(%dma_wait3A_242 : memref<8x128xi32, #tpu.memory_space<hbm>>) dst(%arg10 : memref<8x128xi32, #tpu.memory_space<vmem>>)
      %dma_start3A_243 = arith.constant 0 : i32
      %dma_start3A_244 = arith.constant 0 : i32
      %dma_start3A_245 = tpu.memref_slice %arg9[%dma_start3A_243, %dma_start3A_244] : memref<8x128xi32, #tpu.memory_space<vmem>> -> memref<1x128xi32, #tpu.memory_space<vmem>>
      %dma_start3A_246 = tpu.memref_squeeze %dma_start3A_245 : memref<1x128xi32, #tpu.memory_space<vmem>> -> memref<128xi32, #tpu.memory_space<vmem>>
      %dma_start3A_247 = arith.constant 0 : i32
      %dma_start3A_248 = arith.constant 0 : i32
      %dma_start3A_249 = tpu.memref_slice %arg2[%dma_start3A_247, %dma_start3A_248] : memref<10000x128xf32, #tpu.memory_space<hbm>> -> memref<10000x128xf32, #tpu.memory_space<hbm>>
      tpu.enqueue_indirect_dma source(%dma_start3A_249 : memref<10000x128xf32, #tpu.memory_space<hbm>>) target(%arg11 : memref<128x128xf32, #tpu.memory_space<vmem>>) offsets(%dma_start3A_246 : memref<128xi32, #tpu.memory_space<vmem>>) semaphore(%arg14 : memref<!tpu.dma_semaphore, #tpu.memory_space<semaphore_mem>>)
      %dma_start3A_250 = arith.constant 1 : i32
      %dma_start3A_251 = arith.constant 0 : i32
      %dma_start3A_252 = tpu.memref_slice %arg9[%dma_start3A_250, %dma_start3A_251] : memref<8x128xi32, #tpu.memory_space<vmem>> -> memref<1x128xi32, #tpu.memory_space<vmem>>
      %dma_start3A_253 = tpu.memref_squeeze %dma_start3A_252 : memref<1x128xi32, #tpu.memory_space<vmem>> -> memref<128xi32, #tpu.memory_space<vmem>>
      %dma_start3A_254 = arith.constant 0 : i32
      %dma_start3A_255 = arith.constant 0 : i32
      %dma_start3A_256 = tpu.memref_slice %arg2[%dma_start3A_254, %dma_start3A_255] : memref<10000x128xf32, #tpu.memory_space<hbm>> -> memref<10000x128xf32, #tpu.memory_space<hbm>>
      tpu.enqueue_indirect_dma source(%dma_start3A_256 : memref<10000x128xf32, #tpu.memory_space<hbm>>) target(%arg12 : memref<128x128xf32, #tpu.memory_space<vmem>>) offsets(%dma_start3A_253 : memref<128xi32, #tpu.memory_space<vmem>>) semaphore(%arg15 : memref<!tpu.dma_semaphore, #tpu.memory_space<semaphore_mem>>)
      %dma_wait3A_257 = arith.constant 0 : i32
      %dma_wait3A_258 = arith.constant 0 : i32
      %dma_wait3A_259 = tpu.memref_slice %arg9[%dma_wait3A_257, %dma_wait3A_258] : memref<8x128xi32, #tpu.memory_space<vmem>> -> memref<1x128xi32, #tpu.memory_space<vmem>>
      %dma_wait3A_260 = tpu.memref_squeeze %dma_wait3A_259 : memref<1x128xi32, #tpu.memory_space<vmem>> -> memref<128xi32, #tpu.memory_space<vmem>>
      %dma_wait3A_261 = arith.constant 0 : i32
      %dma_wait3A_262 = arith.constant 0 : i32
      %dma_wait3A_263 = tpu.memref_slice %arg2[%dma_wait3A_261, %dma_wait3A_262] : memref<10000x128xf32, #tpu.memory_space<hbm>> -> memref<10000x128xf32, #tpu.memory_space<hbm>>
      tpu.wait_indirect_dma semaphore(%arg14 : memref<!tpu.dma_semaphore, #tpu.memory_space<semaphore_mem>>) src(%dma_wait3A_263 : memref<10000x128xf32, #tpu.memory_space<hbm>>) dst(%arg11 : memref<128x128xf32, #tpu.memory_space<vmem>>)
      %run_scoped3A_264 = arith.constant 0 : i32
      "tpu.region"() ({
        %run_scoped3A_370 = tpu.sem_alloc : memref<!tpu.dma_semaphore, #tpu.memory_space<semaphore_mem>>
        %dma_start3A_371 = arith.constant 0 : i32
        %dma_start3A_372 = tpu.memref_slice %arg10[%run_scoped3A_264, %dma_start3A_371] : memref<8x128xi32, #tpu.memory_space<vmem>> -> memref<1x128xi32, #tpu.memory_space<vmem>>
        %dma_start3A_373 = tpu.memref_squeeze %dma_start3A_372 : memref<1x128xi32, #tpu.memory_space<vmem>> -> memref<128xi32, #tpu.memory_space<vmem>>
        %dma_start3A_374 = arith.constant 0 : i32
        %dma_start3A_375 = arith.constant 0 : i32
        %dma_start3A_376 = tpu.memref_slice %arg13[%dma_start3A_374, %dma_start3A_375] : memref<10240x128xf32, #tpu.memory_space<vmem_shared>> -> memref<10240x128xf32, #tpu.memory_space<vmem_shared>>
        tpu.enqueue_indirect_dma source(%arg11 : memref<128x128xf32, #tpu.memory_space<vmem>>) target(%dma_start3A_376 : memref<10240x128xf32, #tpu.memory_space<vmem_shared>>) offsets(%dma_start3A_373 : memref<128xi32, #tpu.memory_space<vmem>>) semaphore(%run_scoped3A_370 : memref<!tpu.dma_semaphore, #tpu.memory_space<semaphore_mem>>) {add = true}
        %dma_wait3A_377 = arith.constant 0 : i32
        %dma_wait3A_378 = tpu.memref_slice %arg10[%run_scoped3A_264, %dma_wait3A_377] : memref<8x128xi32, #tpu.memory_space<vmem>> -> memref<1x128xi32, #tpu.memory_space<vmem>>
        %dma_wait3A_379 = tpu.memref_squeeze %dma_wait3A_378 : memref<1x128xi32, #tpu.memory_space<vmem>> -> memref<128xi32, #tpu.memory_space<vmem>>
        %dma_wait3A_380 = arith.constant 0 : i32
        %dma_wait3A_381 = arith.constant 0 : i32
        %dma_wait3A_382 = tpu.memref_slice %arg13[%dma_wait3A_380, %dma_wait3A_381] : memref<10240x128xf32, #tpu.memory_space<vmem_shared>> -> memref<10240x128xf32, #tpu.memory_space<vmem_shared>>
        tpu.wait_indirect_dma semaphore(%run_scoped3A_370 : memref<!tpu.dma_semaphore, #tpu.memory_space<semaphore_mem>>) src(%arg11 : memref<128x128xf32, #tpu.memory_space<vmem>>) dst(%dma_wait3A_382 : memref<10240x128xf32, #tpu.memory_space<vmem_shared>>)
        tpu.yield
      }) : () -> ()
      %dma_start3A_265 = arith.constant 2 : i32
      %dma_start3A_266 = arith.constant 0 : i32
      %dma_start3A_267 = tpu.memref_slice %arg9[%dma_start3A_265, %dma_start3A_266] : memref<8x128xi32, #tpu.memory_space<vmem>> -> memref<1x128xi32, #tpu.memory_space<vmem>>
      %dma_start3A_268 = tpu.memref_squeeze %dma_start3A_267 : memref<1x128xi32, #tpu.memory_space<vmem>> -> memref<128xi32, #tpu.memory_space<vmem>>
      %dma_start3A_269 = arith.constant 0 : i32
      %dma_start3A_270 = arith.constant 0 : i32
      %dma_start3A_271 = tpu.memref_slice %arg2[%dma_start3A_269, %dma_start3A_270] : memref<10000x128xf32, #tpu.memory_space<hbm>> -> memref<10000x128xf32, #tpu.memory_space<hbm>>
      tpu.enqueue_indirect_dma source(%dma_start3A_271 : memref<10000x128xf32, #tpu.memory_space<hbm>>) target(%arg11 : memref<128x128xf32, #tpu.memory_space<vmem>>) offsets(%dma_start3A_268 : memref<128xi32, #tpu.memory_space<vmem>>) semaphore(%arg14 : memref<!tpu.dma_semaphore, #tpu.memory_space<semaphore_mem>>)
      %dma_wait3A_272 = arith.constant 1 : i32
      %dma_wait3A_273 = arith.constant 0 : i32
      %dma_wait3A_274 = tpu.memref_slice %arg9[%dma_wait3A_272, %dma_wait3A_273] : memref<8x128xi32, #tpu.memory_space<vmem>> -> memref<1x128xi32, #tpu.memory_space<vmem>>
      %dma_wait3A_275 = tpu.memref_squeeze %dma_wait3A_274 : memref<1x128xi32, #tpu.memory_space<vmem>> -> memref<128xi32, #tpu.memory_space<vmem>>
      %dma_wait3A_276 = arith.constant 0 : i32
      %dma_wait3A_277 = arith.constant 0 : i32
      %dma_wait3A_278 = tpu.memref_slice %arg2[%dma_wait3A_276, %dma_wait3A_277] : memref<10000x128xf32, #tpu.memory_space<hbm>> -> memref<10000x128xf32, #tpu.memory_space<hbm>>
      tpu.wait_indirect_dma semaphore(%arg15 : memref<!tpu.dma_semaphore, #tpu.memory_space<semaphore_mem>>) src(%dma_wait3A_278 : memref<10000x128xf32, #tpu.memory_space<hbm>>) dst(%arg12 : memref<128x128xf32, #tpu.memory_space<vmem>>)
      %run_scoped3A_279 = arith.constant 1 : i32
      "tpu.region"() ({
        %run_scoped3A_370 = tpu.sem_alloc : memref<!tpu.dma_semaphore, #tpu.memory_space<semaphore_mem>>
        %dma_start3A_371 = arith.constant 0 : i32
        %dma_start3A_372 = tpu.memref_slice %arg10[%run_scoped3A_279, %dma_start3A_371] : memref<8x128xi32, #tpu.memory_space<vmem>> -> memref<1x128xi32, #tpu.memory_space<vmem>>
        %dma_start3A_373 = tpu.memref_squeeze %dma_start3A_372 : memref<1x128xi32, #tpu.memory_space<vmem>> -> memref<128xi32, #tpu.memory_space<vmem>>
        %dma_start3A_374 = arith.constant 0 : i32
        %dma_start3A_375 = arith.constant 0 : i32
        %dma_start3A_376 = tpu.memref_slice %arg13[%dma_start3A_374, %dma_start3A_375] : memref<10240x128xf32, #tpu.memory_space<vmem_shared>> -> memref<10240x128xf32, #tpu.memory_space<vmem_shared>>
        tpu.enqueue_indirect_dma source(%arg12 : memref<128x128xf32, #tpu.memory_space<vmem>>) target(%dma_start3A_376 : memref<10240x128xf32, #tpu.memory_space<vmem_shared>>) offsets(%dma_start3A_373 : memref<128xi32, #tpu.memory_space<vmem>>) semaphore(%run_scoped3A_370 : memref<!tpu.dma_semaphore, #tpu.memory_space<semaphore_mem>>) {add = true}
        %dma_wait3A_377 = arith.constant 0 : i32
        %dma_wait3A_378 = tpu.memref_slice %arg10[%run_scoped3A_279, %dma_wait3A_377] : memref<8x128xi32, #tpu.memory_space<vmem>> -> memref<1x128xi32, #tpu.memory_space<vmem>>
        %dma_wait3A_379 = tpu.memref_squeeze %dma_wait3A_378 : memref<1x128xi32, #tpu.memory_space<vmem>> -> memref<128xi32, #tpu.memory_space<vmem>>
        %dma_wait3A_380 = arith.constant 0 : i32
        %dma_wait3A_381 = arith.constant 0 : i32
        %dma_wait3A_382 = tpu.memref_slice %arg13[%dma_wait3A_380, %dma_wait3A_381] : memref<10240x128xf32, #tpu.memory_space<vmem_shared>> -> memref<10240x128xf32, #tpu.memory_space<vmem_shared>>
        tpu.wait_indirect_dma semaphore(%run_scoped3A_370 : memref<!tpu.dma_semaphore, #tpu.memory_space<semaphore_mem>>) src(%arg12 : memref<128x128xf32, #tpu.memory_space<vmem>>) dst(%dma_wait3A_382 : memref<10240x128xf32, #tpu.memory_space<vmem_shared>>)
        tpu.yield
      }) : () -> ()
      %dma_start3A_280 = arith.constant 3 : i32
      %dma_start3A_281 = arith.constant 0 : i32
      %dma_start3A_282 = tpu.memref_slice %arg9[%dma_start3A_280, %dma_start3A_281] : memref<8x128xi32, #tpu.memory_space<vmem>> -> memref<1x128xi32, #tpu.memory_space<vmem>>
      %dma_start3A_283 = tpu.memref_squeeze %dma_start3A_282 : memref<1x128xi32, #tpu.memory_space<vmem>> -> memref<128xi32, #tpu.memory_space<vmem>>
      %dma_start3A_284 = arith.constant 0 : i32
      %dma_start3A_285 = arith.constant 0 : i32
      %dma_start3A_286 = tpu.memref_slice %arg2[%dma_start3A_284, %dma_start3A_285] : memref<10000x128xf32, #tpu.memory_space<hbm>> -> memref<10000x128xf32, #tpu.memory_space<hbm>>
      tpu.enqueue_indirect_dma source(%dma_start3A_286 : memref<10000x128xf32, #tpu.memory_space<hbm>>) target(%arg12 : memref<128x128xf32, #tpu.memory_space<vmem>>) offsets(%dma_start3A_283 : memref<128xi32, #tpu.memory_space<vmem>>) semaphore(%arg15 : memref<!tpu.dma_semaphore, #tpu.memory_space<semaphore_mem>>)
      %dma_wait3A_287 = arith.constant 2 : i32
      %dma_wait3A_288 = arith.constant 0 : i32
      %dma_wait3A_289 = tpu.memref_slice %arg9[%dma_wait3A_287, %dma_wait3A_288] : memref<8x128xi32, #tpu.memory_space<vmem>> -> memref<1x128xi32, #tpu.memory_space<vmem>>
      %dma_wait3A_290 = tpu.memref_squeeze %dma_wait3A_289 : memref<1x128xi32, #tpu.memory_space<vmem>> -> memref<128xi32, #tpu.memory_space<vmem>>
      %dma_wait3A_291 = arith.constant 0 : i32
      %dma_wait3A_292 = arith.constant 0 : i32
      %dma_wait3A_293 = tpu.memref_slice %arg2[%dma_wait3A_291, %dma_wait3A_292] : memref<10000x128xf32, #tpu.memory_space<hbm>> -> memref<10000x128xf32, #tpu.memory_space<hbm>>
      tpu.wait_indirect_dma semaphore(%arg14 : memref<!tpu.dma_semaphore, #tpu.memory_space<semaphore_mem>>) src(%dma_wait3A_293 : memref<10000x128xf32, #tpu.memory_space<hbm>>) dst(%arg11 : memref<128x128xf32, #tpu.memory_space<vmem>>)
      %run_scoped3A_294 = arith.constant 2 : i32
      "tpu.region"() ({
        %run_scoped3A_370 = tpu.sem_alloc : memref<!tpu.dma_semaphore, #tpu.memory_space<semaphore_mem>>
        %dma_start3A_371 = arith.constant 0 : i32
        %dma_start3A_372 = tpu.memref_slice %arg10[%run_scoped3A_294, %dma_start3A_371] : memref<8x128xi32, #tpu.memory_space<vmem>> -> memref<1x128xi32, #tpu.memory_space<vmem>>
        %dma_start3A_373 = tpu.memref_squeeze %dma_start3A_372 : memref<1x128xi32, #tpu.memory_space<vmem>> -> memref<128xi32, #tpu.memory_space<vmem>>
        %dma_start3A_374 = arith.constant 0 : i32
        %dma_start3A_375 = arith.constant 0 : i32
        %dma_start3A_376 = tpu.memref_slice %arg13[%dma_start3A_374, %dma_start3A_375] : memref<10240x128xf32, #tpu.memory_space<vmem_shared>> -> memref<10240x128xf32, #tpu.memory_space<vmem_shared>>
        tpu.enqueue_indirect_dma source(%arg11 : memref<128x128xf32, #tpu.memory_space<vmem>>) target(%dma_start3A_376 : memref<10240x128xf32, #tpu.memory_space<vmem_shared>>) offsets(%dma_start3A_373 : memref<128xi32, #tpu.memory_space<vmem>>) semaphore(%run_scoped3A_370 : memref<!tpu.dma_semaphore, #tpu.memory_space<semaphore_mem>>) {add = true}
        %dma_wait3A_377 = arith.constant 0 : i32
        %dma_wait3A_378 = tpu.memref_slice %arg10[%run_scoped3A_294, %dma_wait3A_377] : memref<8x128xi32, #tpu.memory_space<vmem>> -> memref<1x128xi32, #tpu.memory_space<vmem>>
        %dma_wait3A_379 = tpu.memref_squeeze %dma_wait3A_378 : memref<1x128xi32, #tpu.memory_space<vmem>> -> memref<128xi32, #tpu.memory_space<vmem>>
        %dma_wait3A_380 = arith.constant 0 : i32
        %dma_wait3A_381 = arith.constant 0 : i32
        %dma_wait3A_382 = tpu.memref_slice %arg13[%dma_wait3A_380, %dma_wait3A_381] : memref<10240x128xf32, #tpu.memory_space<vmem_shared>> -> memref<10240x128xf32, #tpu.memory_space<vmem_shared>>
        tpu.wait_indirect_dma semaphore(%run_scoped3A_370 : memref<!tpu.dma_semaphore, #tpu.memory_space<semaphore_mem>>) src(%arg11 : memref<128x128xf32, #tpu.memory_space<vmem>>) dst(%dma_wait3A_382 : memref<10240x128xf32, #tpu.memory_space<vmem_shared>>)
        tpu.yield
      }) : () -> ()
      %dma_start3A_295 = arith.constant 4 : i32
      %dma_start3A_296 = arith.constant 0 : i32
      %dma_start3A_297 = tpu.memref_slice %arg9[%dma_start3A_295, %dma_start3A_296] : memref<8x128xi32, #tpu.memory_space<vmem>> -> memref<1x128xi32, #tpu.memory_space<vmem>>
      %dma_start3A_298 = tpu.memref_squeeze %dma_start3A_297 : memref<1x128xi32, #tpu.memory_space<vmem>> -> memref<128xi32, #tpu.memory_space<vmem>>
      %dma_start3A_299 = arith.constant 0 : i32
      %dma_start3A_300 = arith.constant 0 : i32
      %dma_start3A_301 = tpu.memref_slice %arg2[%dma_start3A_299, %dma_start3A_300] : memref<10000x128xf32, #tpu.memory_space<hbm>> -> memref<10000x128xf32, #tpu.memory_space<hbm>>
      tpu.enqueue_indirect_dma source(%dma_start3A_301 : memref<10000x128xf32, #tpu.memory_space<hbm>>) target(%arg11 : memref<128x128xf32, #tpu.memory_space<vmem>>) offsets(%dma_start3A_298 : memref<128xi32, #tpu.memory_space<vmem>>) semaphore(%arg14 : memref<!tpu.dma_semaphore, #tpu.memory_space<semaphore_mem>>)
      %dma_wait3A_302 = arith.constant 3 : i32
      %dma_wait3A_303 = arith.constant 0 : i32
      %dma_wait3A_304 = tpu.memref_slice %arg9[%dma_wait3A_302, %dma_wait3A_303] : memref<8x128xi32, #tpu.memory_space<vmem>> -> memref<1x128xi32, #tpu.memory_space<vmem>>
      %dma_wait3A_305 = tpu.memref_squeeze %dma_wait3A_304 : memref<1x128xi32, #tpu.memory_space<vmem>> -> memref<128xi32, #tpu.memory_space<vmem>>
      %dma_wait3A_306 = arith.constant 0 : i32
      %dma_wait3A_307 = arith.constant 0 : i32
      %dma_wait3A_308 = tpu.memref_slice %arg2[%dma_wait3A_306, %dma_wait3A_307] : memref<10000x128xf32, #tpu.memory_space<hbm>> -> memref<10000x128xf32, #tpu.memory_space<hbm>>
      tpu.wait_indirect_dma semaphore(%arg15 : memref<!tpu.dma_semaphore, #tpu.memory_space<semaphore_mem>>) src(%dma_wait3A_308 : memref<10000x128xf32, #tpu.memory_space<hbm>>) dst(%arg12 : memref<128x128xf32, #tpu.memory_space<vmem>>)
      %run_scoped3A_309 = arith.constant 3 : i32
      "tpu.region"() ({
        %run_scoped3A_370 = tpu.sem_alloc : memref<!tpu.dma_semaphore, #tpu.memory_space<semaphore_mem>>
        %dma_start3A_371 = arith.constant 0 : i32
        %dma_start3A_372 = tpu.memref_slice %arg10[%run_scoped3A_309, %dma_start3A_371] : memref<8x128xi32, #tpu.memory_space<vmem>> -> memref<1x128xi32, #tpu.memory_space<vmem>>
        %dma_start3A_373 = tpu.memref_squeeze %dma_start3A_372 : memref<1x128xi32, #tpu.memory_space<vmem>> -> memref<128xi32, #tpu.memory_space<vmem>>
        %dma_start3A_374 = arith.constant 0 : i32
        %dma_start3A_375 = arith.constant 0 : i32
        %dma_start3A_376 = tpu.memref_slice %arg13[%dma_start3A_374, %dma_start3A_375] : memref<10240x128xf32, #tpu.memory_space<vmem_shared>> -> memref<10240x128xf32, #tpu.memory_space<vmem_shared>>
        tpu.enqueue_indirect_dma source(%arg12 : memref<128x128xf32, #tpu.memory_space<vmem>>) target(%dma_start3A_376 : memref<10240x128xf32, #tpu.memory_space<vmem_shared>>) offsets(%dma_start3A_373 : memref<128xi32, #tpu.memory_space<vmem>>) semaphore(%run_scoped3A_370 : memref<!tpu.dma_semaphore, #tpu.memory_space<semaphore_mem>>) {add = true}
        %dma_wait3A_377 = arith.constant 0 : i32
        %dma_wait3A_378 = tpu.memref_slice %arg10[%run_scoped3A_309, %dma_wait3A_377] : memref<8x128xi32, #tpu.memory_space<vmem>> -> memref<1x128xi32, #tpu.memory_space<vmem>>
        %dma_wait3A_379 = tpu.memref_squeeze %dma_wait3A_378 : memref<1x128xi32, #tpu.memory_space<vmem>> -> memref<128xi32, #tpu.memory_space<vmem>>
        %dma_wait3A_380 = arith.constant 0 : i32
        %dma_wait3A_381 = arith.constant 0 : i32
        %dma_wait3A_382 = tpu.memref_slice %arg13[%dma_wait3A_380, %dma_wait3A_381] : memref<10240x128xf32, #tpu.memory_space<vmem_shared>> -> memref<10240x128xf32, #tpu.memory_space<vmem_shared>>
        tpu.wait_indirect_dma semaphore(%run_scoped3A_370 : memref<!tpu.dma_semaphore, #tpu.memory_space<semaphore_mem>>) src(%arg12 : memref<128x128xf32, #tpu.memory_space<vmem>>) dst(%dma_wait3A_382 : memref<10240x128xf32, #tpu.memory_space<vmem_shared>>)
        tpu.yield
      }) : () -> ()
      %dma_start3A_310 = arith.constant 5 : i32
      %dma_start3A_311 = arith.constant 0 : i32
      %dma_start3A_312 = tpu.memref_slice %arg9[%dma_start3A_310, %dma_start3A_311] : memref<8x128xi32, #tpu.memory_space<vmem>> -> memref<1x128xi32, #tpu.memory_space<vmem>>
      %dma_start3A_313 = tpu.memref_squeeze %dma_start3A_312 : memref<1x128xi32, #tpu.memory_space<vmem>> -> memref<128xi32, #tpu.memory_space<vmem>>
      %dma_start3A_314 = arith.constant 0 : i32
      %dma_start3A_315 = arith.constant 0 : i32
      %dma_start3A_316 = tpu.memref_slice %arg2[%dma_start3A_314, %dma_start3A_315] : memref<10000x128xf32, #tpu.memory_space<hbm>> -> memref<10000x128xf32, #tpu.memory_space<hbm>>
      tpu.enqueue_indirect_dma source(%dma_start3A_316 : memref<10000x128xf32, #tpu.memory_space<hbm>>) target(%arg12 : memref<128x128xf32, #tpu.memory_space<vmem>>) offsets(%dma_start3A_313 : memref<128xi32, #tpu.memory_space<vmem>>) semaphore(%arg15 : memref<!tpu.dma_semaphore, #tpu.memory_space<semaphore_mem>>)
      %dma_wait3A_317 = arith.constant 4 : i32
      %dma_wait3A_318 = arith.constant 0 : i32
      %dma_wait3A_319 = tpu.memref_slice %arg9[%dma_wait3A_317, %dma_wait3A_318] : memref<8x128xi32, #tpu.memory_space<vmem>> -> memref<1x128xi32, #tpu.memory_space<vmem>>
      %dma_wait3A_320 = tpu.memref_squeeze %dma_wait3A_319 : memref<1x128xi32, #tpu.memory_space<vmem>> -> memref<128xi32, #tpu.memory_space<vmem>>
      %dma_wait3A_321 = arith.constant 0 : i32
      %dma_wait3A_322 = arith.constant 0 : i32
      %dma_wait3A_323 = tpu.memref_slice %arg2[%dma_wait3A_321, %dma_wait3A_322] : memref<10000x128xf32, #tpu.memory_space<hbm>> -> memref<10000x128xf32, #tpu.memory_space<hbm>>
      tpu.wait_indirect_dma semaphore(%arg14 : memref<!tpu.dma_semaphore, #tpu.memory_space<semaphore_mem>>) src(%dma_wait3A_323 : memref<10000x128xf32, #tpu.memory_space<hbm>>) dst(%arg11 : memref<128x128xf32, #tpu.memory_space<vmem>>)
      %run_scoped3A_324 = arith.constant 4 : i32
      "tpu.region"() ({
        %run_scoped3A_370 = tpu.sem_alloc : memref<!tpu.dma_semaphore, #tpu.memory_space<semaphore_mem>>
        %dma_start3A_371 = arith.constant 0 : i32
        %dma_start3A_372 = tpu.memref_slice %arg10[%run_scoped3A_324, %dma_start3A_371] : memref<8x128xi32, #tpu.memory_space<vmem>> -> memref<1x128xi32, #tpu.memory_space<vmem>>
        %dma_start3A_373 = tpu.memref_squeeze %dma_start3A_372 : memref<1x128xi32, #tpu.memory_space<vmem>> -> memref<128xi32, #tpu.memory_space<vmem>>
        %dma_start3A_374 = arith.constant 0 : i32
        %dma_start3A_375 = arith.constant 0 : i32
        %dma_start3A_376 = tpu.memref_slice %arg13[%dma_start3A_374, %dma_start3A_375] : memref<10240x128xf32, #tpu.memory_space<vmem_shared>> -> memref<10240x128xf32, #tpu.memory_space<vmem_shared>>
        tpu.enqueue_indirect_dma source(%arg11 : memref<128x128xf32, #tpu.memory_space<vmem>>) target(%dma_start3A_376 : memref<10240x128xf32, #tpu.memory_space<vmem_shared>>) offsets(%dma_start3A_373 : memref<128xi32, #tpu.memory_space<vmem>>) semaphore(%run_scoped3A_370 : memref<!tpu.dma_semaphore, #tpu.memory_space<semaphore_mem>>) {add = true}
        %dma_wait3A_377 = arith.constant 0 : i32
        %dma_wait3A_378 = tpu.memref_slice %arg10[%run_scoped3A_324, %dma_wait3A_377] : memref<8x128xi32, #tpu.memory_space<vmem>> -> memref<1x128xi32, #tpu.memory_space<vmem>>
        %dma_wait3A_379 = tpu.memref_squeeze %dma_wait3A_378 : memref<1x128xi32, #tpu.memory_space<vmem>> -> memref<128xi32, #tpu.memory_space<vmem>>
        %dma_wait3A_380 = arith.constant 0 : i32
        %dma_wait3A_381 = arith.constant 0 : i32
        %dma_wait3A_382 = tpu.memref_slice %arg13[%dma_wait3A_380, %dma_wait3A_381] : memref<10240x128xf32, #tpu.memory_space<vmem_shared>> -> memref<10240x128xf32, #tpu.memory_space<vmem_shared>>
        tpu.wait_indirect_dma semaphore(%run_scoped3A_370 : memref<!tpu.dma_semaphore, #tpu.memory_space<semaphore_mem>>) src(%arg11 : memref<128x128xf32, #tpu.memory_space<vmem>>) dst(%dma_wait3A_382 : memref<10240x128xf32, #tpu.memory_space<vmem_shared>>)
        tpu.yield
      }) : () -> ()
      %dma_start3A_325 = arith.constant 6 : i32
      %dma_start3A_326 = arith.constant 0 : i32
      %dma_start3A_327 = tpu.memref_slice %arg9[%dma_start3A_325, %dma_start3A_326] : memref<8x128xi32, #tpu.memory_space<vmem>> -> memref<1x128xi32, #tpu.memory_space<vmem>>
      %dma_start3A_328 = tpu.memref_squeeze %dma_start3A_327 : memref<1x128xi32, #tpu.memory_space<vmem>> -> memref<128xi32, #tpu.memory_space<vmem>>
      %dma_start3A_329 = arith.constant 0 : i32
      %dma_start3A_330 = arith.constant 0 : i32
      %dma_start3A_331 = tpu.memref_slice %arg2[%dma_start3A_329, %dma_start3A_330] : memref<10000x128xf32, #tpu.memory_space<hbm>> -> memref<10000x128xf32, #tpu.memory_space<hbm>>
      tpu.enqueue_indirect_dma source(%dma_start3A_331 : memref<10000x128xf32, #tpu.memory_space<hbm>>) target(%arg11 : memref<128x128xf32, #tpu.memory_space<vmem>>) offsets(%dma_start3A_328 : memref<128xi32, #tpu.memory_space<vmem>>) semaphore(%arg14 : memref<!tpu.dma_semaphore, #tpu.memory_space<semaphore_mem>>)
      %dma_wait3A_332 = arith.constant 5 : i32
      %dma_wait3A_333 = arith.constant 0 : i32
      %dma_wait3A_334 = tpu.memref_slice %arg9[%dma_wait3A_332, %dma_wait3A_333] : memref<8x128xi32, #tpu.memory_space<vmem>> -> memref<1x128xi32, #tpu.memory_space<vmem>>
      %dma_wait3A_335 = tpu.memref_squeeze %dma_wait3A_334 : memref<1x128xi32, #tpu.memory_space<vmem>> -> memref<128xi32, #tpu.memory_space<vmem>>
      %dma_wait3A_336 = arith.constant 0 : i32
      %dma_wait3A_337 = arith.constant 0 : i32
      %dma_wait3A_338 = tpu.memref_slice %arg2[%dma_wait3A_336, %dma_wait3A_337] : memref<10000x128xf32, #tpu.memory_space<hbm>> -> memref<10000x128xf32, #tpu.memory_space<hbm>>
      tpu.wait_indirect_dma semaphore(%arg15 : memref<!tpu.dma_semaphore, #tpu.memory_space<semaphore_mem>>) src(%dma_wait3A_338 : memref<10000x128xf32, #tpu.memory_space<hbm>>) dst(%arg12 : memref<128x128xf32, #tpu.memory_space<vmem>>)
      %run_scoped3A_339 = arith.constant 5 : i32
      "tpu.region"() ({
        %run_scoped3A_370 = tpu.sem_alloc : memref<!tpu.dma_semaphore, #tpu.memory_space<semaphore_mem>>
        %dma_start3A_371 = arith.constant 0 : i32
        %dma_start3A_372 = tpu.memref_slice %arg10[%run_scoped3A_339, %dma_start3A_371] : memref<8x128xi32, #tpu.memory_space<vmem>> -> memref<1x128xi32, #tpu.memory_space<vmem>>
        %dma_start3A_373 = tpu.memref_squeeze %dma_start3A_372 : memref<1x128xi32, #tpu.memory_space<vmem>> -> memref<128xi32, #tpu.memory_space<vmem>>
        %dma_start3A_374 = arith.constant 0 : i32
        %dma_start3A_375 = arith.constant 0 : i32
        %dma_start3A_376 = tpu.memref_slice %arg13[%dma_start3A_374, %dma_start3A_375] : memref<10240x128xf32, #tpu.memory_space<vmem_shared>> -> memref<10240x128xf32, #tpu.memory_space<vmem_shared>>
        tpu.enqueue_indirect_dma source(%arg12 : memref<128x128xf32, #tpu.memory_space<vmem>>) target(%dma_start3A_376 : memref<10240x128xf32, #tpu.memory_space<vmem_shared>>) offsets(%dma_start3A_373 : memref<128xi32, #tpu.memory_space<vmem>>) semaphore(%run_scoped3A_370 : memref<!tpu.dma_semaphore, #tpu.memory_space<semaphore_mem>>) {add = true}
        %dma_wait3A_377 = arith.constant 0 : i32
        %dma_wait3A_378 = tpu.memref_slice %arg10[%run_scoped3A_339, %dma_wait3A_377] : memref<8x128xi32, #tpu.memory_space<vmem>> -> memref<1x128xi32, #tpu.memory_space<vmem>>
        %dma_wait3A_379 = tpu.memref_squeeze %dma_wait3A_378 : memref<1x128xi32, #tpu.memory_space<vmem>> -> memref<128xi32, #tpu.memory_space<vmem>>
        %dma_wait3A_380 = arith.constant 0 : i32
        %dma_wait3A_381 = arith.constant 0 : i32
        %dma_wait3A_382 = tpu.memref_slice %arg13[%dma_wait3A_380, %dma_wait3A_381] : memref<10240x128xf32, #tpu.memory_space<vmem_shared>> -> memref<10240x128xf32, #tpu.memory_space<vmem_shared>>
        tpu.wait_indirect_dma semaphore(%run_scoped3A_370 : memref<!tpu.dma_semaphore, #tpu.memory_space<semaphore_mem>>) src(%arg12 : memref<128x128xf32, #tpu.memory_space<vmem>>) dst(%dma_wait3A_382 : memref<10240x128xf32, #tpu.memory_space<vmem_shared>>)
        tpu.yield
      }) : () -> ()
      %dma_start3A_340 = arith.constant 7 : i32
      %dma_start3A_341 = arith.constant 0 : i32
      %dma_start3A_342 = tpu.memref_slice %arg9[%dma_start3A_340, %dma_start3A_341] : memref<8x128xi32, #tpu.memory_space<vmem>> -> memref<1x128xi32, #tpu.memory_space<vmem>>
      %dma_start3A_343 = tpu.memref_squeeze %dma_start3A_342 : memref<1x128xi32, #tpu.memory_space<vmem>> -> memref<128xi32, #tpu.memory_space<vmem>>
      %dma_start3A_344 = arith.constant 0 : i32
      %dma_start3A_345 = arith.constant 0 : i32
      %dma_start3A_346 = tpu.memref_slice %arg2[%dma_start3A_344, %dma_start3A_345] : memref<10000x128xf32, #tpu.memory_space<hbm>> -> memref<10000x128xf32, #tpu.memory_space<hbm>>
      tpu.enqueue_indirect_dma source(%dma_start3A_346 : memref<10000x128xf32, #tpu.memory_space<hbm>>) target(%arg12 : memref<128x128xf32, #tpu.memory_space<vmem>>) offsets(%dma_start3A_343 : memref<128xi32, #tpu.memory_space<vmem>>) semaphore(%arg15 : memref<!tpu.dma_semaphore, #tpu.memory_space<semaphore_mem>>)
      %dma_wait3A_347 = arith.constant 6 : i32
      %dma_wait3A_348 = arith.constant 0 : i32
      %dma_wait3A_349 = tpu.memref_slice %arg9[%dma_wait3A_347, %dma_wait3A_348] : memref<8x128xi32, #tpu.memory_space<vmem>> -> memref<1x128xi32, #tpu.memory_space<vmem>>
      %dma_wait3A_350 = tpu.memref_squeeze %dma_wait3A_349 : memref<1x128xi32, #tpu.memory_space<vmem>> -> memref<128xi32, #tpu.memory_space<vmem>>
      %dma_wait3A_351 = arith.constant 0 : i32
      %dma_wait3A_352 = arith.constant 0 : i32
      %dma_wait3A_353 = tpu.memref_slice %arg2[%dma_wait3A_351, %dma_wait3A_352] : memref<10000x128xf32, #tpu.memory_space<hbm>> -> memref<10000x128xf32, #tpu.memory_space<hbm>>
      tpu.wait_indirect_dma semaphore(%arg14 : memref<!tpu.dma_semaphore, #tpu.memory_space<semaphore_mem>>) src(%dma_wait3A_353 : memref<10000x128xf32, #tpu.memory_space<hbm>>) dst(%arg11 : memref<128x128xf32, #tpu.memory_space<vmem>>)
      %run_scoped3A_354 = arith.constant 6 : i32
      "tpu.region"() ({
        %run_scoped3A_370 = tpu.sem_alloc : memref<!tpu.dma_semaphore, #tpu.memory_space<semaphore_mem>>
        %dma_start3A_371 = arith.constant 0 : i32
        %dma_start3A_372 = tpu.memref_slice %arg10[%run_scoped3A_354, %dma_start3A_371] : memref<8x128xi32, #tpu.memory_space<vmem>> -> memref<1x128xi32, #tpu.memory_space<vmem>>
        %dma_start3A_373 = tpu.memref_squeeze %dma_start3A_372 : memref<1x128xi32, #tpu.memory_space<vmem>> -> memref<128xi32, #tpu.memory_space<vmem>>
        %dma_start3A_374 = arith.constant 0 : i32
        %dma_start3A_375 = arith.constant 0 : i32
        %dma_start3A_376 = tpu.memref_slice %arg13[%dma_start3A_374, %dma_start3A_375] : memref<10240x128xf32, #tpu.memory_space<vmem_shared>> -> memref<10240x128xf32, #tpu.memory_space<vmem_shared>>
        tpu.enqueue_indirect_dma source(%arg11 : memref<128x128xf32, #tpu.memory_space<vmem>>) target(%dma_start3A_376 : memref<10240x128xf32, #tpu.memory_space<vmem_shared>>) offsets(%dma_start3A_373 : memref<128xi32, #tpu.memory_space<vmem>>) semaphore(%run_scoped3A_370 : memref<!tpu.dma_semaphore, #tpu.memory_space<semaphore_mem>>) {add = true}
        %dma_wait3A_377 = arith.constant 0 : i32
        %dma_wait3A_378 = tpu.memref_slice %arg10[%run_scoped3A_354, %dma_wait3A_377] : memref<8x128xi32, #tpu.memory_space<vmem>> -> memref<1x128xi32, #tpu.memory_space<vmem>>
        %dma_wait3A_379 = tpu.memref_squeeze %dma_wait3A_378 : memref<1x128xi32, #tpu.memory_space<vmem>> -> memref<128xi32, #tpu.memory_space<vmem>>
        %dma_wait3A_380 = arith.constant 0 : i32
        %dma_wait3A_381 = arith.constant 0 : i32
        %dma_wait3A_382 = tpu.memref_slice %arg13[%dma_wait3A_380, %dma_wait3A_381] : memref<10240x128xf32, #tpu.memory_space<vmem_shared>> -> memref<10240x128xf32, #tpu.memory_space<vmem_shared>>
        tpu.wait_indirect_dma semaphore(%run_scoped3A_370 : memref<!tpu.dma_semaphore, #tpu.memory_space<semaphore_mem>>) src(%arg11 : memref<128x128xf32, #tpu.memory_space<vmem>>) dst(%dma_wait3A_382 : memref<10240x128xf32, #tpu.memory_space<vmem_shared>>)
        tpu.yield
      }) : () -> ()
      %dma_wait3A_355 = arith.constant 7 : i32
      %dma_wait3A_356 = arith.constant 0 : i32
      %dma_wait3A_357 = tpu.memref_slice %arg9[%dma_wait3A_355, %dma_wait3A_356] : memref<8x128xi32, #tpu.memory_space<vmem>> -> memref<1x128xi32, #tpu.memory_space<vmem>>
      %dma_wait3A_358 = tpu.memref_squeeze %dma_wait3A_357 : memref<1x128xi32, #tpu.memory_space<vmem>> -> memref<128xi32, #tpu.memory_space<vmem>>
      %dma_wait3A_359 = arith.constant 0 : i32
      %dma_wait3A_360 = arith.constant 0 : i32
      %dma_wait3A_361 = tpu.memref_slice %arg2[%dma_wait3A_359, %dma_wait3A_360] : memref<10000x128xf32, #tpu.memory_space<hbm>> -> memref<10000x128xf32, #tpu.memory_space<hbm>>
      tpu.wait_indirect_dma semaphore(%arg15 : memref<!tpu.dma_semaphore, #tpu.memory_space<semaphore_mem>>) src(%dma_wait3A_361 : memref<10000x128xf32, #tpu.memory_space<hbm>>) dst(%arg12 : memref<128x128xf32, #tpu.memory_space<vmem>>)
      %run_scoped3A_362 = arith.constant 7 : i32
      "tpu.region"() ({
        %run_scoped3A_370 = tpu.sem_alloc : memref<!tpu.dma_semaphore, #tpu.memory_space<semaphore_mem>>
        %dma_start3A_371 = arith.constant 0 : i32
        %dma_start3A_372 = tpu.memref_slice %arg10[%run_scoped3A_362, %dma_start3A_371] : memref<8x128xi32, #tpu.memory_space<vmem>> -> memref<1x128xi32, #tpu.memory_space<vmem>>
        %dma_start3A_373 = tpu.memref_squeeze %dma_start3A_372 : memref<1x128xi32, #tpu.memory_space<vmem>> -> memref<128xi32, #tpu.memory_space<vmem>>
        %dma_start3A_374 = arith.constant 0 : i32
        %dma_start3A_375 = arith.constant 0 : i32
        %dma_start3A_376 = tpu.memref_slice %arg13[%dma_start3A_374, %dma_start3A_375] : memref<10240x128xf32, #tpu.memory_space<vmem_shared>> -> memref<10240x128xf32, #tpu.memory_space<vmem_shared>>
        tpu.enqueue_indirect_dma source(%arg12 : memref<128x128xf32, #tpu.memory_space<vmem>>) target(%dma_start3A_376 : memref<10240x128xf32, #tpu.memory_space<vmem_shared>>) offsets(%dma_start3A_373 : memref<128xi32, #tpu.memory_space<vmem>>) semaphore(%run_scoped3A_370 : memref<!tpu.dma_semaphore, #tpu.memory_space<semaphore_mem>>) {add = true}
        %dma_wait3A_377 = arith.constant 0 : i32
        %dma_wait3A_378 = tpu.memref_slice %arg10[%run_scoped3A_362, %dma_wait3A_377] : memref<8x128xi32, #tpu.memory_space<vmem>> -> memref<1x128xi32, #tpu.memory_space<vmem>>
        %dma_wait3A_379 = tpu.memref_squeeze %dma_wait3A_378 : memref<1x128xi32, #tpu.memory_space<vmem>> -> memref<128xi32, #tpu.memory_space<vmem>>
        %dma_wait3A_380 = arith.constant 0 : i32
        %dma_wait3A_381 = arith.constant 0 : i32
        %dma_wait3A_382 = tpu.memref_slice %arg13[%dma_wait3A_380, %dma_wait3A_381] : memref<10240x128xf32, #tpu.memory_space<vmem_shared>> -> memref<10240x128xf32, #tpu.memory_space<vmem_shared>>
        tpu.wait_indirect_dma semaphore(%run_scoped3A_370 : memref<!tpu.dma_semaphore, #tpu.memory_space<semaphore_mem>>) src(%arg12 : memref<128x128xf32, #tpu.memory_space<vmem>>) dst(%dma_wait3A_382 : memref<10240x128xf32, #tpu.memory_space<vmem_shared>>)
        tpu.yield
      }) : () -> ()
      %add3A_363 = arith.constant 2 : i32
      %add3A_364 = arith.addi %add3A_224, %add3A_363 : i32
      %lt3A_365 = arith.constant 10 : i32
      %lt3A_366 = arith.cmpi slt, %add3A_364, %lt3A_365 : i32
      %convert_element_type3A_367 = arith.extui %lt3A_366 : i1 to i32
      %cond3A_368 = arith.constant 0 : i32
      %cond3A_369 = arith.cmpi ne, %convert_element_type3A_367, %cond3A_368 : i32
      scf.if %cond3A_369 {
        %add3A_370 = arith.constant 2 : i32
        %add3A_371 = arith.addi %add3A_224, %add3A_370 : i32
        %dma_start3A_372 = arith.constant 0 : i32
        %dma_start3A_373 = arith.constant 0 : i32
        %dma_start3A_374 = tpu.memref_slice %arg3[%add3A, %add3A_371, %dma_start3A_372, %dma_start3A_373] : memref<32x10x8x128xi32, #tpu.memory_space<hbm>> -> memref<1x1x8x128xi32, #tpu.memory_space<hbm>>
        %dma_start3A_375 = tpu.memref_squeeze %dma_start3A_374 : memref<1x1x8x128xi32, #tpu.memory_space<hbm>> -> memref<8x128xi32, #tpu.memory_space<hbm>>
        %dma_start3A_376 = arith.constant 0 : i32
        %dma_start3A_377 = arith.constant 0 : i32
        %dma_start3A_378 = tpu.memref_slice %arg3[%add3A, %add3A_371, %dma_start3A_376, %dma_start3A_377] : memref<32x10x8x128xi32, #tpu.memory_space<hbm>> -> memref<1x1x8x128xi32, #tpu.memory_space<hbm>>
        %dma_start3A_379 = tpu.memref_squeeze %dma_start3A_378 : memref<1x1x8x128xi32, #tpu.memory_space<hbm>> -> memref<8x128xi32, #tpu.memory_space<hbm>>
        tpu.enqueue_dma source(%dma_start3A_379 : memref<8x128xi32, #tpu.memory_space<hbm>>) target(%arg9 : memref<8x128xi32, #tpu.memory_space<vmem>>) target_semaphore(%arg17 : memref<!tpu.dma_semaphore, #tpu.memory_space<semaphore_mem>>)
        %add3A_380 = arith.constant 2 : i32
        %add3A_381 = arith.addi %add3A_224, %add3A_380 : i32
        %dma_start3A_382 = arith.constant 0 : i32
        %dma_start3A_383 = arith.constant 0 : i32
        %dma_start3A_384 = tpu.memref_slice %arg4[%add3A, %add3A_381, %dma_start3A_382, %dma_start3A_383] : memref<32x10x8x128xi32, #tpu.memory_space<hbm>> -> memref<1x1x8x128xi32, #tpu.memory_space<hbm>>
        %dma_start3A_385 = tpu.memref_squeeze %dma_start3A_384 : memref<1x1x8x128xi32, #tpu.memory_space<hbm>> -> memref<8x128xi32, #tpu.memory_space<hbm>>
        %dma_start3A_386 = arith.constant 0 : i32
        %dma_start3A_387 = arith.constant 0 : i32
        %dma_start3A_388 = tpu.memref_slice %arg4[%add3A, %add3A_381, %dma_start3A_386, %dma_start3A_387] : memref<32x10x8x128xi32, #tpu.memory_space<hbm>> -> memref<1x1x8x128xi32, #tpu.memory_space<hbm>>
        %dma_start3A_389 = tpu.memref_squeeze %dma_start3A_388 : memref<1x1x8x128xi32, #tpu.memory_space<hbm>> -> memref<8x128xi32, #tpu.memory_space<hbm>>
        tpu.enqueue_dma source(%dma_start3A_389 : memref<8x128xi32, #tpu.memory_space<hbm>>) target(%arg10 : memref<8x128xi32, #tpu.memory_space<vmem>>) target_semaphore(%arg17 : memref<!tpu.dma_semaphore, #tpu.memory_space<semaphore_mem>>)
      } else {
      }
    }
    %scan3A_65 = arith.constant 5 : i32
    %barrier3A_66 = arith.constant 0 : index
    tpu.barrier barrier_id(%barrier3A_66)
    %mul3A_67 = arith.constant 640 : i32
    %mul3A_68 = arith.muli %arg1, %mul3A_67 : i32
    %eq3A = arith.constant 0 : i32
    %eq3A_69 = arith.cmpi eq, %arg0, %eq3A : i32
    %convert_element_type3A = arith.extui %eq3A_69 : i1 to i32
    %cond3A = arith.constant 0 : i32
    %cond3A_70 = arith.cmpi ne, %convert_element_type3A, %cond3A : i32
    scf.if %cond3A_70 {
      "tpu.region"() ({
        %run_scoped3A = tpu.sem_alloc : memref<!tpu.dma_semaphore, #tpu.memory_space<semaphore_mem>>
        %dma_start3A_76 = arith.constant 0 : i32
        %dma_start3A_77 = tpu.memref_slice %arg5[%mul3A_68, %dma_start3A_76] : memref<10240x128xf32, #tpu.memory_space<hbm>> -> memref<640x128xf32, #tpu.memory_space<hbm>>
        %dma_start3A_78 = arith.constant 0 : i32
        %dma_start3A_79 = tpu.memref_slice %arg13[%mul3A_68, %dma_start3A_78] : memref<10240x128xf32, #tpu.memory_space<vmem_shared>> -> memref<640x128xf32, #tpu.memory_space<vmem_shared>>
        tpu.enqueue_dma source(%dma_start3A_79 : memref<640x128xf32, #tpu.memory_space<vmem_shared>>) target(%dma_start3A_77 : memref<640x128xf32, #tpu.memory_space<hbm>>) target_semaphore(%run_scoped3A : memref<!tpu.dma_semaphore, #tpu.memory_space<semaphore_mem>>)
        %dma_wait3A = arith.constant 0 : i32
        %dma_wait3A_80 = tpu.memref_slice %arg5[%mul3A_68, %dma_wait3A] : memref<10240x128xf32, #tpu.memory_space<hbm>> -> memref<640x128xf32, #tpu.memory_space<hbm>>
        %dma_wait3A_81 = arith.constant 0 : i32
        %dma_wait3A_82 = tpu.memref_slice %arg13[%mul3A_68, %dma_wait3A_81] : memref<10240x128xf32, #tpu.memory_space<vmem_shared>> -> memref<640x128xf32, #tpu.memory_space<vmem_shared>>
        tpu.wait_dma2 semaphore(%run_scoped3A : memref<!tpu.dma_semaphore, #tpu.memory_space<semaphore_mem>>) src(%dma_wait3A_82 : memref<640x128xf32, #tpu.memory_space<vmem_shared>>) dst(%dma_wait3A_80 : memref<640x128xf32, #tpu.memory_space<hbm>>)
        tpu.yield
      }) : () -> ()
    } else {
    }
    %eq3A_71 = arith.constant 1 : i32
    %eq3A_72 = arith.cmpi eq, %arg0, %eq3A_71 : i32
    %convert_element_type3A_73 = arith.extui %eq3A_72 : i1 to i32
    %cond3A_74 = arith.constant 0 : i32
    %cond3A_75 = arith.cmpi ne, %convert_element_type3A_73, %cond3A_74 : i32
    scf.if %cond3A_75 {
      "tpu.region"() ({
        %run_scoped3A = tpu.sem_alloc : memref<!tpu.dma_semaphore, #tpu.memory_space<semaphore_mem>>
        %dma_start3A_76 = arith.constant 0 : i32
        %dma_start3A_77 = tpu.memref_slice %arg6[%mul3A_68, %dma_start3A_76] : memref<10240x128xf32, #tpu.memory_space<hbm>> -> memref<640x128xf32, #tpu.memory_space<hbm>>
        %dma_start3A_78 = arith.constant 0 : i32
        %dma_start3A_79 = tpu.memref_slice %arg13[%mul3A_68, %dma_start3A_78] : memref<10240x128xf32, #tpu.memory_space<vmem_shared>> -> memref<640x128xf32, #tpu.memory_space<vmem_shared>>
        tpu.enqueue_dma source(%dma_start3A_79 : memref<640x128xf32, #tpu.memory_space<vmem_shared>>) target(%dma_start3A_77 : memref<640x128xf32, #tpu.memory_space<hbm>>) target_semaphore(%run_scoped3A : memref<!tpu.dma_semaphore, #tpu.memory_space<semaphore_mem>>)
        %dma_wait3A = arith.constant 0 : i32
        %dma_wait3A_80 = tpu.memref_slice %arg6[%mul3A_68, %dma_wait3A] : memref<10240x128xf32, #tpu.memory_space<hbm>> -> memref<640x128xf32, #tpu.memory_space<hbm>>
        %dma_wait3A_81 = arith.constant 0 : i32
        %dma_wait3A_82 = tpu.memref_slice %arg13[%mul3A_68, %dma_wait3A_81] : memref<10240x128xf32, #tpu.memory_space<vmem_shared>> -> memref<640x128xf32, #tpu.memory_space<vmem_shared>>
        tpu.wait_dma2 semaphore(%run_scoped3A : memref<!tpu.dma_semaphore, #tpu.memory_space<semaphore_mem>>) src(%dma_wait3A_82 : memref<640x128xf32, #tpu.memory_space<vmem_shared>>) dst(%dma_wait3A_80 : memref<640x128xf32, #tpu.memory_space<hbm>>)
        tpu.yield
      }) : () -> ()
    } else {
    }
    return
  }
}

#map = affine_map<(d0, d1) -> (0, 0)>
module attributes {stable_mosaic.version = 14 : i64} {
  func.func @_deg_body(%arg0: i32, %arg1: i32, %arg2: memref<32x10240xi32, #tpu.memory_space<hbm>>, %arg3: memref<32x10240xi32, #tpu.memory_space<hbm>>, %arg4: memref<32x10240xf32, #tpu.memory_space<hbm>>, %arg5: memref<32x10240xf32, #tpu.memory_space<hbm>>, %arg6: memref<10240xi32, #tpu.memory_space<vmem>>, %arg7: memref<10240xi32, #tpu.memory_space<vmem>>, %arg8: memref<10240xf32, #tpu.memory_space<vmem>>, %arg9: memref<10240xf32, #tpu.memory_space<vmem>>, %arg10: memref<!tpu.dma_semaphore, #tpu.memory_space<semaphore_mem>>) attributes {dimension_semantics = [#tpu.dimension_semantics<core_parallel>, #tpu.dimension_semantics<subcore_parallel>], iteration_bounds = array<i64: 2, 16>, scalar_prefetch = 0 : i64, scratch_operands = 5 : i64, tpu.core_type = #tpu.core_type<sc_vector_subcore>, window_params = [{transform_indices = #map}, {transform_indices = #map}, {transform_indices = #map}, {transform_indices = #map}]} {
    %mul3A = arith.constant 2 : i32
    %mul3A_0 = arith.muli %arg1, %mul3A : i32
    %add3A = arith.addi %mul3A_0, %arg0 : i32
    %dma_start3A = arith.constant 0 : i32
    %dma_start3A_1 = tpu.memref_slice %arg2[%add3A, %dma_start3A] : memref<32x10240xi32, #tpu.memory_space<hbm>> -> memref<1x10240xi32, #tpu.memory_space<hbm>>
    %dma_start3A_2 = tpu.memref_squeeze %dma_start3A_1 : memref<1x10240xi32, #tpu.memory_space<hbm>> -> memref<10240xi32, #tpu.memory_space<hbm>>
    %dma_start3A_3 = arith.constant 0 : i32
    %dma_start3A_4 = tpu.memref_slice %arg2[%add3A, %dma_start3A_3] : memref<32x10240xi32, #tpu.memory_space<hbm>> -> memref<1x10240xi32, #tpu.memory_space<hbm>>
    %dma_start3A_5 = tpu.memref_squeeze %dma_start3A_4 : memref<1x10240xi32, #tpu.memory_space<hbm>> -> memref<10240xi32, #tpu.memory_space<hbm>>
    tpu.enqueue_dma source(%dma_start3A_5 : memref<10240xi32, #tpu.memory_space<hbm>>) target(%arg6 : memref<10240xi32, #tpu.memory_space<vmem>>) target_semaphore(%arg10 : memref<!tpu.dma_semaphore, #tpu.memory_space<semaphore_mem>>)
    %dma_wait3A = arith.constant 0 : i32
    %dma_wait3A_6 = tpu.memref_slice %arg2[%add3A, %dma_wait3A] : memref<32x10240xi32, #tpu.memory_space<hbm>> -> memref<1x10240xi32, #tpu.memory_space<hbm>>
    %dma_wait3A_7 = tpu.memref_squeeze %dma_wait3A_6 : memref<1x10240xi32, #tpu.memory_space<hbm>> -> memref<10240xi32, #tpu.memory_space<hbm>>
    %dma_wait3A_8 = arith.constant 0 : i32
    %dma_wait3A_9 = tpu.memref_slice %arg2[%add3A, %dma_wait3A_8] : memref<32x10240xi32, #tpu.memory_space<hbm>> -> memref<1x10240xi32, #tpu.memory_space<hbm>>
    %dma_wait3A_10 = tpu.memref_squeeze %dma_wait3A_9 : memref<1x10240xi32, #tpu.memory_space<hbm>> -> memref<10240xi32, #tpu.memory_space<hbm>>
    tpu.wait_dma2 semaphore(%arg10 : memref<!tpu.dma_semaphore, #tpu.memory_space<semaphore_mem>>) src(%dma_wait3A_10 : memref<10240xi32, #tpu.memory_space<hbm>>) dst(%arg6 : memref<10240xi32, #tpu.memory_space<vmem>>)
    %dma_start3A_11 = arith.constant 0 : i32
    %dma_start3A_12 = tpu.memref_slice %arg3[%add3A, %dma_start3A_11] : memref<32x10240xi32, #tpu.memory_space<hbm>> -> memref<1x10240xi32, #tpu.memory_space<hbm>>
    %dma_start3A_13 = tpu.memref_squeeze %dma_start3A_12 : memref<1x10240xi32, #tpu.memory_space<hbm>> -> memref<10240xi32, #tpu.memory_space<hbm>>
    %dma_start3A_14 = arith.constant 0 : i32
    %dma_start3A_15 = tpu.memref_slice %arg3[%add3A, %dma_start3A_14] : memref<32x10240xi32, #tpu.memory_space<hbm>> -> memref<1x10240xi32, #tpu.memory_space<hbm>>
    %dma_start3A_16 = tpu.memref_squeeze %dma_start3A_15 : memref<1x10240xi32, #tpu.memory_space<hbm>> -> memref<10240xi32, #tpu.memory_space<hbm>>
    tpu.enqueue_dma source(%dma_start3A_16 : memref<10240xi32, #tpu.memory_space<hbm>>) target(%arg7 : memref<10240xi32, #tpu.memory_space<vmem>>) target_semaphore(%arg10 : memref<!tpu.dma_semaphore, #tpu.memory_space<semaphore_mem>>)
    %dma_wait3A_17 = arith.constant 0 : i32
    %dma_wait3A_18 = tpu.memref_slice %arg3[%add3A, %dma_wait3A_17] : memref<32x10240xi32, #tpu.memory_space<hbm>> -> memref<1x10240xi32, #tpu.memory_space<hbm>>
    %dma_wait3A_19 = tpu.memref_squeeze %dma_wait3A_18 : memref<1x10240xi32, #tpu.memory_space<hbm>> -> memref<10240xi32, #tpu.memory_space<hbm>>
    %dma_wait3A_20 = arith.constant 0 : i32
    %dma_wait3A_21 = tpu.memref_slice %arg3[%add3A, %dma_wait3A_20] : memref<32x10240xi32, #tpu.memory_space<hbm>> -> memref<1x10240xi32, #tpu.memory_space<hbm>>
    %dma_wait3A_22 = tpu.memref_squeeze %dma_wait3A_21 : memref<1x10240xi32, #tpu.memory_space<hbm>> -> memref<10240xi32, #tpu.memory_space<hbm>>
    tpu.wait_dma2 semaphore(%arg10 : memref<!tpu.dma_semaphore, #tpu.memory_space<semaphore_mem>>) src(%dma_wait3A_22 : memref<10240xi32, #tpu.memory_space<hbm>>) dst(%arg7 : memref<10240xi32, #tpu.memory_space<vmem>>)
    %broadcast_in_dim3A = arith.constant 0.000000e+00 : f32
    %broadcast_in_dim3A_23 = vector.broadcast %broadcast_in_dim3A : f32 to vector<16xf32>
    %scan3A = arith.constant 0 : i32
    %scan3A_24 = arith.constant 640 : i32
    %scan3A_25 = arith.addi %scan3A, %scan3A_24 : i32
    %scan3A_26 = arith.constant 1 : i32
    scf.for %scan3A_35 = %scan3A to %scan3A_25 step %scan3A_26  : i32 {
      %mul3A_36 = arith.constant 16 : i32
      %mul3A_37 = arith.muli %scan3A_35, %mul3A_36 : i32
      %swap3A = arith.index_cast %mul3A_37 : i32 to index
      %swap3A_38 = tpu.vector_load %arg8[%swap3A] {strides = array<i32>} : memref<10240xf32, #tpu.memory_space<vmem>>, vector<16xf32>,
      tpu.vector_store %arg8[%swap3A], %broadcast_in_dim3A_23 {strides = array<i32>} : memref<10240xf32, #tpu.memory_space<vmem>>, vector<16xf32>,
      %mul3A_39 = arith.constant 16 : i32
      %mul3A_40 = arith.muli %scan3A_35, %mul3A_39 : i32
      %swap3A_41 = arith.index_cast %mul3A_40 : i32 to index
      %swap3A_42 = tpu.vector_load %arg9[%swap3A_41] {strides = array<i32>} : memref<10240xf32, #tpu.memory_space<vmem>>, vector<16xf32>,
      tpu.vector_store %arg9[%swap3A_41], %broadcast_in_dim3A_23 {strides = array<i32>} : memref<10240xf32, #tpu.memory_space<vmem>>, vector<16xf32>,
    }
    %scan3A_27 = arith.constant 640 : i32
    %broadcast_in_dim3A_28 = arith.constant 1.000000e+00 : f32
    %broadcast_in_dim3A_29 = vector.broadcast %broadcast_in_dim3A_28 : f32 to vector<16xf32>
    %scan3A_30 = arith.constant 0 : i32
    %scan3A_31 = arith.constant 640 : i32
    %scan3A_32 = arith.addi %scan3A_30, %scan3A_31 : i32
    %scan3A_33 = arith.constant 1 : i32
    scf.for %scan3A_35 = %scan3A_30 to %scan3A_32 step %scan3A_33  : i32 {
      %mul3A_36 = arith.constant 16 : i32
      %mul3A_37 = arith.muli %scan3A_35, %mul3A_36 : i32
      %get3A = arith.index_cast %mul3A_37 : i32 to index
      %get3A_38 = tpu.vector_load %arg6[%get3A] {strides = array<i32>} : memref<10240xi32, #tpu.memory_space<vmem>>, vector<16xi32>,
      %mul3A_39 = arith.constant 16 : i32
      %mul3A_40 = arith.muli %scan3A_35, %mul3A_39 : i32
      %get3A_41 = arith.index_cast %mul3A_40 : i32 to index
      %get3A_42 = tpu.vector_load %arg7[%get3A_41] {strides = array<i32>} : memref<10240xi32, #tpu.memory_space<vmem>>, vector<16xi32>,
      tpu.vector_store_idx %arg8[%get3A_38], %broadcast_in_dim3A_29 {add = true} : memref<10240xf32, #tpu.memory_space<vmem>>[vector<16xi32>], vector<16xf32>,
      tpu.vector_store_idx %arg9[%get3A_42], %broadcast_in_dim3A_29 {add = true} : memref<10240xf32, #tpu.memory_space<vmem>>[vector<16xi32>], vector<16xf32>,
    }
    %scan3A_34 = arith.constant 640 : i32
    "tpu.region"() ({
      %run_scoped3A = tpu.sem_alloc : memref<!tpu.dma_semaphore, #tpu.memory_space<semaphore_mem>>
      %dma_start3A_35 = arith.constant 0 : i32
      %dma_start3A_36 = tpu.memref_slice %arg4[%add3A, %dma_start3A_35] : memref<32x10240xf32, #tpu.memory_space<hbm>> -> memref<1x10240xf32, #tpu.memory_space<hbm>>
      %dma_start3A_37 = tpu.memref_squeeze %dma_start3A_36 : memref<1x10240xf32, #tpu.memory_space<hbm>> -> memref<10240xf32, #tpu.memory_space<hbm>>
      %dma_start3A_38 = arith.constant 0 : i32
      %dma_start3A_39 = tpu.memref_slice %arg4[%add3A, %dma_start3A_38] : memref<32x10240xf32, #tpu.memory_space<hbm>> -> memref<1x10240xf32, #tpu.memory_space<hbm>>
      %dma_start3A_40 = tpu.memref_squeeze %dma_start3A_39 : memref<1x10240xf32, #tpu.memory_space<hbm>> -> memref<10240xf32, #tpu.memory_space<hbm>>
      tpu.enqueue_dma source(%arg8 : memref<10240xf32, #tpu.memory_space<vmem>>) target(%dma_start3A_40 : memref<10240xf32, #tpu.memory_space<hbm>>) target_semaphore(%run_scoped3A : memref<!tpu.dma_semaphore, #tpu.memory_space<semaphore_mem>>)
      %dma_wait3A_41 = arith.constant 0 : i32
      %dma_wait3A_42 = tpu.memref_slice %arg4[%add3A, %dma_wait3A_41] : memref<32x10240xf32, #tpu.memory_space<hbm>> -> memref<1x10240xf32, #tpu.memory_space<hbm>>
      %dma_wait3A_43 = tpu.memref_squeeze %dma_wait3A_42 : memref<1x10240xf32, #tpu.memory_space<hbm>> -> memref<10240xf32, #tpu.memory_space<hbm>>
      %dma_wait3A_44 = arith.constant 0 : i32
      %dma_wait3A_45 = tpu.memref_slice %arg4[%add3A, %dma_wait3A_44] : memref<32x10240xf32, #tpu.memory_space<hbm>> -> memref<1x10240xf32, #tpu.memory_space<hbm>>
      %dma_wait3A_46 = tpu.memref_squeeze %dma_wait3A_45 : memref<1x10240xf32, #tpu.memory_space<hbm>> -> memref<10240xf32, #tpu.memory_space<hbm>>
      tpu.wait_dma2 semaphore(%run_scoped3A : memref<!tpu.dma_semaphore, #tpu.memory_space<semaphore_mem>>) src(%arg8 : memref<10240xf32, #tpu.memory_space<vmem>>) dst(%dma_wait3A_46 : memref<10240xf32, #tpu.memory_space<hbm>>)
      tpu.yield
    }) : () -> ()
    "tpu.region"() ({
      %run_scoped3A = tpu.sem_alloc : memref<!tpu.dma_semaphore, #tpu.memory_space<semaphore_mem>>
      %dma_start3A_35 = arith.constant 0 : i32
      %dma_start3A_36 = tpu.memref_slice %arg5[%add3A, %dma_start3A_35] : memref<32x10240xf32, #tpu.memory_space<hbm>> -> memref<1x10240xf32, #tpu.memory_space<hbm>>
      %dma_start3A_37 = tpu.memref_squeeze %dma_start3A_36 : memref<1x10240xf32, #tpu.memory_space<hbm>> -> memref<10240xf32, #tpu.memory_space<hbm>>
      %dma_start3A_38 = arith.constant 0 : i32
      %dma_start3A_39 = tpu.memref_slice %arg5[%add3A, %dma_start3A_38] : memref<32x10240xf32, #tpu.memory_space<hbm>> -> memref<1x10240xf32, #tpu.memory_space<hbm>>
      %dma_start3A_40 = tpu.memref_squeeze %dma_start3A_39 : memref<1x10240xf32, #tpu.memory_space<hbm>> -> memref<10240xf32, #tpu.memory_space<hbm>>
      tpu.enqueue_dma source(%arg9 : memref<10240xf32, #tpu.memory_space<vmem>>) target(%dma_start3A_40 : memref<10240xf32, #tpu.memory_space<hbm>>) target_semaphore(%run_scoped3A : memref<!tpu.dma_semaphore, #tpu.memory_space<semaphore_mem>>)
      %dma_wait3A_41 = arith.constant 0 : i32
      %dma_wait3A_42 = tpu.memref_slice %arg5[%add3A, %dma_wait3A_41] : memref<32x10240xf32, #tpu.memory_space<hbm>> -> memref<1x10240xf32, #tpu.memory_space<hbm>>
      %dma_wait3A_43 = tpu.memref_squeeze %dma_wait3A_42 : memref<1x10240xf32, #tpu.memory_space<hbm>> -> memref<10240xf32, #tpu.memory_space<hbm>>
      %dma_wait3A_44 = arith.constant 0 : i32
      %dma_wait3A_45 = tpu.memref_slice %arg5[%add3A, %dma_wait3A_44] : memref<32x10240xf32, #tpu.memory_space<hbm>> -> memref<1x10240xf32, #tpu.memory_space<hbm>>
      %dma_wait3A_46 = tpu.memref_squeeze %dma_wait3A_45 : memref<1x10240xf32, #tpu.memory_space<hbm>> -> memref<10240xf32, #tpu.memory_space<hbm>>
      tpu.wait_dma2 semaphore(%run_scoped3A : memref<!tpu.dma_semaphore, #tpu.memory_space<semaphore_mem>>) src(%arg9 : memref<10240xf32, #tpu.memory_space<vmem>>) dst(%dma_wait3A_46 : memref<10240xf32, #tpu.memory_space<hbm>>)
      tpu.yield
    }) : () -> ()
    return
  }
}

module attributes {stable_mosaic.version = 14 : i64} {
  func.func @_scale_body(%arg0: memref<10000x128xf32, #tpu.memory_space<vmem>>, %arg1: memref<32x10240xf32, #tpu.memory_space<vmem>>, %arg2: memref<10000x128xf32, #tpu.memory_space<vmem>>) attributes {dimension_semantics = [], scalar_prefetch = 0 : i64, scratch_operands = 0 : i64, tpu.core_type = #tpu.core_type<tc>} {
    %get3A = arith.constant 0 : index
    %get3A_0 = arith.constant 0 : index
    %get3A_1 = vector.load %arg1[%get3A, %get3A_0] : memref<32x10240xf32, #tpu.memory_space<vmem>>, vector<32x10000xf32>
    %reduce_sum3A = arith.constant dense<0.000000e+00> : vector<10000xf32>
    %reduce_sum3A_2 = vector.multi_reduction <add>, %get3A_1, %reduce_sum3A [0] : vector<32x10000xf32> to vector<10000xf32>
    %gt3A = arith.constant 0.000000e+00 : f32
    %gt3A_3 = vector.broadcast %gt3A : f32 to vector<10000xf32>
    %gt3A_4 = arith.cmpf ogt, %reduce_sum3A_2, %gt3A_3 : vector<10000xf32>
    %rsqrt3A = math.rsqrt %reduce_sum3A_2 : vector<10000xf32>
    %jit3A = arith.constant 0.000000e+00 : f32
    %broadcast_in_dim3A = vector.broadcast %jit3A : f32 to vector<10000xf32>
    %select_n3A = arith.select %gt3A_4, %rsqrt3A, %broadcast_in_dim3A : vector<10000xi1>, vector<10000xf32>
    %get3A_5 = arith.constant 0 : index
    %get3A_6 = arith.constant 0 : index
    %get3A_7 = vector.load %arg0[%get3A_5, %get3A_6] : memref<10000x128xf32, #tpu.memory_space<vmem>>, vector<10000x128xf32>
    %broadcast_in_dim3A_8 = vector.shape_cast %select_n3A : vector<10000xf32> to vector<10000x1xf32>
    %mul3A = vector.broadcast %broadcast_in_dim3A_8 : vector<10000x1xf32> to vector<10000x128xf32>
    %mul3A_9 = arith.mulf %get3A_7, %mul3A : vector<10000x128xf32>
    %swap3A = arith.constant 0 : index
    %swap3A_10 = arith.constant 0 : index
    %swap3A_11 = vector.load %arg2[%swap3A, %swap3A_10] : memref<10000x128xf32, #tpu.memory_space<vmem>>, vector<10000x128xf32>
    tpu.vector_store %arg2[%swap3A, %swap3A_10], %mul3A_9 {strides = array<i32>} : memref<10000x128xf32, #tpu.memory_space<vmem>>, vector<10000x128xf32>,
    return
  }
}

module attributes {stable_mosaic.version = 14 : i64} {
  func.func @_out_body(%arg0: memref<10240x128xf32, #tpu.memory_space<vmem>>, %arg1: memref<10240x128xf32, #tpu.memory_space<vmem>>, %arg2: memref<32x10240xf32, #tpu.memory_space<vmem>>, %arg3: memref<128x128xf32, #tpu.memory_space<vmem>>, %arg4: memref<1x128xf32, #tpu.memory_space<vmem>>, %arg5: memref<1x1xf32, #tpu.memory_space<smem>>, %arg6: memref<10000x128xf32, #tpu.memory_space<vmem>>) attributes {dimension_semantics = [], scalar_prefetch = 0 : i64, scratch_operands = 0 : i64, tpu.core_type = #tpu.core_type<tc>} {
    %get3A = arith.constant 0 : index
    %get3A_0 = arith.constant 0 : index
    %get3A_1 = vector.load %arg2[%get3A, %get3A_0] : memref<32x10240xf32, #tpu.memory_space<vmem>>, vector<32x10240xf32>
    %reduce_sum3A = arith.constant dense<0.000000e+00> : vector<10240xf32>
    %reduce_sum3A_2 = vector.multi_reduction <add>, %get3A_1, %reduce_sum3A [0] : vector<32x10240xf32> to vector<10240xf32>
    %gt3A = arith.constant 0.000000e+00 : f32
    %gt3A_3 = vector.broadcast %gt3A : f32 to vector<10240xf32>
    %gt3A_4 = arith.cmpf ogt, %reduce_sum3A_2, %gt3A_3 : vector<10240xf32>
    %rsqrt3A = math.rsqrt %reduce_sum3A_2 : vector<10240xf32>
    %jit3A = arith.constant 0.000000e+00 : f32
    %broadcast_in_dim3A = vector.broadcast %jit3A : f32 to vector<10240xf32>
    %select_n3A = arith.select %gt3A_4, %rsqrt3A, %broadcast_in_dim3A : vector<10240xi1>, vector<10240xf32>
    %get3A_5 = arith.constant 0 : index
    %get3A_6 = arith.constant 0 : index
    %get3A_7 = vector.load %arg0[%get3A_5, %get3A_6] : memref<10240x128xf32, #tpu.memory_space<vmem>>, vector<10000x128xf32>
    %get3A_8 = arith.constant 0 : index
    %get3A_9 = arith.constant 0 : index
    %get3A_10 = vector.load %arg1[%get3A_8, %get3A_9] : memref<10240x128xf32, #tpu.memory_space<vmem>>, vector<10000x128xf32>
    %add3A = arith.addf %get3A_7, %get3A_10 : vector<10000x128xf32>
    %slice3A = vector.extract_strided_slice %select_n3A {offsets = [0], sizes = [10000], strides = [1]} : vector<10240xf32> to vector<10000xf32>
    %broadcast_in_dim3A_11 = vector.shape_cast %slice3A : vector<10000xf32> to vector<10000x1xf32>
    %mul3A = vector.broadcast %broadcast_in_dim3A_11 : vector<10000x1xf32> to vector<10000x128xf32>
    %mul3A_12 = arith.mulf %add3A, %mul3A : vector<10000x128xf32>
    %get3A_13 = arith.constant 0 : index
    %get3A_14 = arith.constant 0 : index
    %get3A_15 = vector.load %arg3[%get3A_13, %get3A_14] : memref<128x128xf32, #tpu.memory_space<vmem>>, vector<128x128xf32>
    %dot_general3A = arith.constant dense<0.000000e+00> : vector<10000x128xf32>
    %dot_general3A_16 = tpu.matmul %mul3A_12, %get3A_15, %dot_general3A {dimension_numbers = #tpu.dot_dimension_numbers<[1], [0], [0], [1], [0, 0, 1, 1], [], []>, transpose_lhs_hint = false} : vector<10000x128xf32>, vector<128x128xf32>, vector<10000x128xf32> -> vector<10000x128xf32>
    %get3A_17 = arith.constant 0 : index
    %get3A_18 = arith.constant 0 : index
    %get3A_19 = vector.load %arg4[%get3A_17, %get3A_18] : memref<1x128xf32, #tpu.memory_space<vmem>>, vector<1x128xf32>
    %add3A_20 = vector.broadcast %get3A_19 : vector<1x128xf32> to vector<10000x128xf32>
    %add3A_21 = arith.addf %dot_general3A_16, %add3A_20 : vector<10000x128xf32>
    %get3A_22 = arith.constant 0 : index
    %get3A_23 = arith.constant 0 : index
    %get3A_24 = memref.load %arg5[%get3A_22, %get3A_23] : memref<1x1xf32, #tpu.memory_space<smem>>
    %ge3A = arith.constant 0.000000e+00 : f32
    %ge3A_25 = vector.broadcast %ge3A : f32 to vector<10000x128xf32>
    %ge3A_26 = arith.cmpf oge, %add3A_21, %ge3A_25 : vector<10000x128xf32>
    %mul3A_27 = vector.broadcast %get3A_24 : f32 to vector<10000x128xf32>
    %mul3A_28 = arith.mulf %mul3A_27, %add3A_21 : vector<10000x128xf32>
    %select_n3A_29 = arith.select %ge3A_26, %add3A_21, %mul3A_28 : vector<10000x128xi1>, vector<10000x128xf32>
    %swap3A = arith.constant 0 : index
    %swap3A_30 = arith.constant 0 : index
    %swap3A_31 = vector.load %arg6[%swap3A, %swap3A_30] : memref<10000x128xf32, #tpu.memory_space<vmem>>, vector<10000x128xf32>
    tpu.vector_store %arg6[%swap3A, %swap3A_30], %select_n3A_29 {strides = array<i32>} : memref<10000x128xf32, #tpu.memory_space<vmem>>, vector<10000x128xf32>,
    return
  }
}

</mosaic_0001>

<sc_bundles>
// kernel: kernel.6.cloned.1.call-start
scs
__scs_entry_jumppad:
0x0: {  	(pc) =	sbr.rel $0x88, $3  }
0x1: {  	(tag) =	ssettag $0x0;
	lr =	simm.s32 $0x1  }
0x2: {  	[smem:$0x3F9C] =	sst lr;
	_ =	strace $0xD0000000  }
0x3: {  	_ = 	snop  }
0x4: {  	_ = 	snop  }
0x5: {  	_ = 	snop  }
0x6: {  	_ = 	snop  }
0x7: {  	_ = 	snop  }
__scs_overlays_trampoline_lowered:
0x8: {  	[smem:$0x3FAB] =	sst s0  }
0x9: {  	[smem:$0x3FAC] =	sst s1  }
0xa: {  	[smem:$0x3FAD] =	sst s2  }
0xb: {  	[smem:$0x3FAE] =	sst s3  }
0xc: {  	[smem:$0x3FAF] =	sst s4  }
0xd: {  	[smem:$0x3FB0] =	sst s5  }
0xe: {  	[smem:$0x3FB1] =	sst s6  }
0xf: {  	[smem:$0x3FB2] =	sst s7  }
0x10: {  	[smem:$0x3FB3] =	sst s8  }
0x11: {  	[smem:$0x3FB4] =	sst s9;
	s0 =	simm.s32 @!p0 $0x0  }
0x12: {  	s1 =	sld [smem:$0x3F9A];
	s0 =	simm.s32 @p0 $0x1  }
0x13: {  	[smem:$0x3FB5] =	sst s0;
	s0 =	simm.s32 @!p1 $0x0  }
0x14: {  	s2 =	sld [smem:$0x3F99];
	s0 =	simm.s32 @p1 $0x1  }
0x15: {  	[smem:$0x3FB6] =	sst s0;
	s0 =	simm.s32 @!p2 $0x0  }
0x16: {  	s3 =	sld [smem:$0x3FDB];
	s0 =	simm.s32 @p2 $0x1  }
0x17: {  	s4 =	simm.s32 $0x1BF5;
	[smem:$0x3FB8] =	sst s0  }
0x18: {  	s0 =	sld [smem:$0x3F9B];
	_ =	swait.ge [sflag:s4], $0x0  }
0x19: {  	s7 =	sld [smem:$0x3F9C]  }
0x1a: {  	s8 =	sadd.s32 $0xFFFFE003, lr  }
0x1b: {  	s9 =	sadd.s32 $0xFFFFFEF7, lr;
	s5 =	simm.s32 $0xFFFFFFFF;
	p2 =	slt.u32 s8, $0xFFFFF086  }
0x1c: {  	p1 =	slt.u32 s9, $0xF7A;
	s5 =	simm.s32 @!p2 $0x0  }
0x1d: {  	s5 =	simm.s32 @p1 $0x1;
	p0 =	seq.s32 s7, s2  }
0x1e: {  	s7 =	smul.u32 @!p0 $0xF7A, s2;
	p2 =	seq.s32 @!p0 s5, $0x0  }
0x1f: {  	s9 =	smul.u32 $0xF7A, s1;
	s8 =	simm.s32 @!p0 $0x1BF5;
	p2 =	por !p2, p0  }
0x20: {  	[sflag:s8] =	ssyncset.s32 @!p0 $0xFFFFF086;
	s6 =	sadd.s32 @!p0 s3, s7;
	s7 =	simm.s32 @!p0 $0x108  }
0x21: {  	s3 =	sadd.s32 s3, s9;
	s6 =	sadd.s32 @!p0 $0x88, s6;
	s7 =	simm.s32 @p2 $0x1082  }
0x22: {  	[simem:s7], [sflag:s8] =	dma.local @!p0 [hbm:s6], $0xF7A  }
0x23: {  	s9 =	sor.u32 $0xD0000000, s2;
	s6 =	simm.s32 $0x108;
	_ =	swait.ge @!p0 [sflag:s8], $0x0  }
0x24: {  	s3 =	sadd.s32 $0x88, s3;
	s6 =	simm.s32 @!p1 $0x1082;
	[sflag:s4] =	ssyncset.s32 $0xFFFFF086  }
0x25: {  	[simem:s6], [sflag:s4] =	dma.local [hbm:s3], $0xF7A  }
0x26: {  	[smem:$0x3F9C] =	sst s1;
	(tag) =	ssettag s2;
	_ =	strace s9  }
0x27: {  	s1 =	sld [smem:$0x3FAC]  }
0x28: {  	s2 =	sld [smem:$0x3FAD]  }
0x29: {  	s4 =	sld [smem:$0x3FAF]  }
0x2a: {  	p0 =	seq.s32 s5, $0x0;
	s5 =	sld [smem:$0x3FB0]  }
0x2b: {  	s6 =	sld [smem:$0x3FB1]  }
0x2c: {  	s7 =	sld [smem:$0x3FB2]  }
0x2d: {  	s3 =	simm.s32 $0x108;
	s8 =	sld [smem:$0x3FB3]  }
0x2e: {  	s3 =	simm.s32 @!p0 $0x1082;
	s9 =	sld [smem:$0x3FB4]  }
0x2f: {  	lr =	sadd.s32 s0, s3;
	s0 =	sld [smem:$0x3FAB]  }
0x30: {  	s3 =	sld [smem:$0x3FAE]  }
0x31: {  	[smem:$0x3FB7] =	sst s10  }
0x32: {  	s10 =	sld [smem:$0x3FB5];
	_ =	sdelay $0x3  }
0x33: {  	p0 =	seq.s32 s10, $0x1;
	s10 =	sld [smem:$0x3FB7];
	_ =	sdelay $0x3  }
0x34: {  	[smem:$0x3FB7] =	sst s10  }
0x35: {  	s10 =	sld [smem:$0x3FB6];
	_ =	sdelay $0x3  }
0x36: {  	p1 =	seq.s32 s10, $0x1;
	s10 =	sld [smem:$0x3FB7];
	_ =	sdelay $0x3  }
0x37: {  	[smem:$0x3FB7] =	sst s10  }
0x38: {  	s10 =	sld [smem:$0x3FB8]  }
0x39: {  	_ = 	snop;
	(pc) =	sbr.ind lr, $3  }
0x3a: {  	_ = 	snop  }
0x3b: {  	_ = 	snop  }
0x3c: {  	p2 =	seq.s32 s10, $0x1;
	s10 =	sld [smem:$0x3FB7]  }
0x3d: {  	_ =	shalt  }
0x3e: {  	_ =	shalt  }
0x3f: {  	_ =	shalt  }
0x40: {  	_ =	shalt  }
0x41: {  	_ =	shalt  }
0x42: {  	_ =	shalt  }
0x43: {  	_ =	shalt  }
0x44: {  	_ =	shalt  }
0x45: {  	_ =	shalt  }
0x46: {  	_ =	shalt  }
0x47: {  	_ =	shalt  }
0x48: {  	_ =	shalt  }
0x49: {  	_ =	shalt  }
0x4a: {  	_ =	shalt  }
0x4b: {  	_ =	shalt  }
0x4c: {  	_ =	shalt  }
0x4d: {  	_ =	shalt  }
0x4e: {  	_ =	shalt  }
0x4f: {  	_ =	shalt  }
0x50: {  	_ =	shalt  }
0x51: {  	_ =	shalt  }
0x52: {  	_ =	shalt  }
0x53: {  	_ =	shalt  }
0x54: {  	_ =	shalt  }
0x55: {  	_ =	shalt  }
0x56: {  	_ =	shalt  }
0x57: {  	_ =	shalt  }
0x58: {  	_ =	shalt  }
0x59: {  	_ =	shalt  }
0x5a: {  	_ =	shalt  }
0x5b: {  	_ =	shalt  }
0x5c: {  	_ =	shalt  }
0x5d: {  	_ =	shalt  }
0x5e: {  	_ =	shalt  }
0x5f: {  	_ =	shalt  }
0x60: {  	_ =	shalt  }
0x61: {  	_ =	shalt  }
0x62: {  	_ =	shalt  }
0x63: {  	_ =	shalt  }
0x64: {  	_ =	shalt  }
0x65: {  	_ =	shalt  }
0x66: {  	_ =	shalt  }
0x67: {  	_ =	shalt  }
0x68: {  	_ =	shalt  }
0x69: {  	_ =	shalt  }
0x6a: {  	_ =	shalt  }
0x6b: {  	_ =	shalt  }
0x6c: {  	_ =	shalt  }
0x6d: {  	_ =	shalt  }
0x6e: {  	_ =	shalt  }
0x6f: {  	_ =	shalt  }
0x70: {  	_ =	shalt  }
0x71: {  	_ =	shalt  }
0x72: {  	_ =	shalt  }
0x73: {  	_ =	shalt  }
0x74: {  	_ =	shalt  }
0x75: {  	_ =	shalt  }
0x76: {  	_ =	shalt  }
0x77: {  	_ =	shalt  }
0x78: {  	_ =	shalt  }
0x79: {  	_ =	shalt  }
0x7a: {  	_ =	shalt  }
0x7b: {  	_ =	shalt  }
0x7c: {  	_ =	shalt  }
0x7d: {  	_ =	shalt  }
0x7e: {  	_ =	shalt  }
0x7f: {  	_ =	shalt  }
0x80: {  	_ =	shalt  }
0x81: {  	_ =	shalt  }
0x82: {  	_ =	shalt  }
0x83: {  	_ =	shalt  }
0x84: {  	_ =	shalt  }
0x85: {  	_ =	shalt  }
0x86: {  	_ =	shalt  }
0x87: {  	_ =	shalt  }
.Lfunc_end0:
.L_simem_size_0:
called_computation_lowered:
.L_overlay_start_0:
0x88: {  	s2 =	sld [smem:$0x3FD9]  }
0x89: {  	s3 =	sld [smem:$0x3FFE];
	_ =	sdelay $0x1  }
0x8a: {  	s1 =	srdreg.scid  }
0x8b: {  	s0 =	sand.u32 $0x1, s1  }
0x8c: {  	s17 =	sshll.u32 s0, $0xA;
	s2 =	sadd.s32 s3, s2  }
0x8d: {  	s2 =	sadd.s32 s2, s17  }
0x8e: {  	[smem:$0x3FC3] =	sst s2  }
0x8f: {  	_ = 	snop  }
0x90: {  	s2 =	sld [smem:$0x3FD0];
	(tm) =	ssettm $0x1  }
0x91: {  	s18 =	sld [smem:$0x3FFB];
	_ =	sdelay $0x3  }
0x92: {  	_ =	strace s18  }
0x93: {  	s3 =	sld [smem:$0x3FFC];
	_ =	sdelay $0x3  }
0x94: {  	_ =	strace s3  }
0x95: {  	s3 =	sld [smem:$0x3FFD];
	_ =	sdelay $0x3  }
0x96: {  	_ =	strace s3  }
0x97: {  	_ =	strace $0x8FFFFFFF  }
0x98: {  	s19 =	sld [smem:$0x3FDB];
	_ =	sdelay $0x1  }
0x99: {  	s4 =	simm.s32 $_scs_section_size  }
0x9a: {  	s5 =	simm.s32 $_size__tile_overlayer_lowered;
	s6 =	simm.s32 $_tile_overlayer_lowered  }
0x9b: {  	s22 =	simm.s32 $0x1BFF;
	s21 =	sshll.u32 s6, $0x1;
	s3 =	sadd.s32 s4, s19  }
0x9c: {  	s7 =	simm.s32 $0x0;
	s20 =	sshll.u32 s5, $0x1;
	s5 =	sadd.s32 s21, s3  }
0x9d: {  	[timem:s7], [sflag:s22] =	dma.local [hbm:s5], s20  }
0x9e: {  	_ =	swait.ge [sflag:s22], s20  }
0x9f: {  	s4 =	ssub.s32 $0x0, s20;
	[sflag:s22] =	ssyncset.done $0x0  }
0xa0: {  	[sflag:s22] =	ssyncadd.s32 s4;
	_ =	sdelay $0x1  }
0xa1: {  	s23 =	simm.s32 $0x1B8B  }
0xa2: {  	_ =	swait.ge [sflag:s23], $0x1  }
0xa3: {  	[sflag:s23] =	ssyncset.done $0x0  }
0xa4: {  	s25 =	simm.s32 $0x1B8E;
	s24 =	sld [smem:$0x3FFE];
	[sflag:s23] =	ssyncadd.s32 $0xFFFFFFFF  }
0xa5: {  	s26 =	simm.s32 $execute0_lowered;
	[smem:$0x3FD2] =	sst s25  }
0xa6: {  	s5 =	sshll.u32 s26, $0x1;
	_ =	strace $0x80000046;
	[dreg:$0x1] =	wrdreg $0xFFFFFFFF  }
0xa7: {  	s28 =	simm.s32 $_size_execute0_lowered;
	s3 =	sadd.s32 s3, s5;
	[dreg:$0x0] =	wrdreg $0x0  }
0xa8: {  	s5 =	sshll.u32 s28, $0x1;
	[dreg:$0x2] =	wrdreg s3  }
0xa9: {  	[dreg:$0x3] =	wrdreg s5  }
0xaa: {  	[dreg:$0x4] =	wrdreg $0xC0  }
0xab: {  	_ =	task [dreg:s7], $0x5FFFF  }
0xac: {  	[dreg:$0x1] =	wrdreg $0xFFFFFFFF  }
0xad: {  	[dreg:$0x0] =	wrdreg $0x60  }
0xae: {  	[dreg:$0x2] =	wrdreg s2  }
0xaf: {  	[dreg:$0x3] =	wrdreg s24  }
0xb0: {  	[dreg:$0x4] =	wrdreg $0x9  }
0xb1: {  	_ =	task.clear_ibuf [dreg:s7], $0x5FFFF;
	_ =	strace $0x90000046  }
0xb2: {  	s29 =	simm.s32 $0x9;
	_ =	strace $0x80000048  }
0xb3: {  	_ =	swait.ge [sflag:s29], $0x1  }
0xb4: {  	[sflag:s29] =	ssyncadd.s32 $0xFFFFFFFF  }
0xb5: {  	_ =	strace $0x90000048  }
0xb6: {  	_ =	sfence  }
0xb7: {  	s30 =	sld [smem:$0x0];
	_ =	sdelay $0x2  }
0xb8: {  	s31 =	sshll.u32 s1, $0xD;
	s1 =	sshrl.u32 s1, $0x2  }
0xb9: {  	s3 =	sand.u32 $0x4000, s31;
	s1 =	sadd.s32 s1, s30  }
0xba: {  	s0 =	sor.u32 s3, s0;
	s1 =	sshll.u32 s1, $0x11  }
0xbb: {  	s0 =	sor.u32 s1, s0  }
0xbc: {  	s0 =	sadd.s32 $0x8F2B, s0  }
0xbd: {  	[sflag:s0] =	ssyncadd.remote.s32 $0x1  }
0xbe: {  	_ =	sfence.sel $0xFFFF  }
0xbf: {  	[dreg:$0x0] =	wrdreg $0xFFFFFFFF;
	(pc) =	sbr.abs _section_cstart, $3  }
0xc0: {  	[dreg:$0x1] =	wrdreg $0xFFFFFFFF  }
0xc1: {  	_ =	task.clear_ibuf [dreg:s7], $0x2FFFF;
	_ =	strace $0x9FFFFFFF  }
0xc2: {  	(tm) =	ssettm $0x7FFFFFFF  }
0xc3: {  	_ =	shalt  }
tec
execute0_lowered:
.L_overlay_start_1:
0x0: {  	(tag) =	ssettag $0x1  }
0x1: {  	s3 =	rddreg [dreg:$0x0]  }
0x2: {  	s4 =	rddreg [dreg:$0x1]  }
0x3: {  	s1 =	srdreg.scid;
	s0 =	stileid.u32  }
0x4: {  	s9 =	simm.s32 $0x400;
	s10 =	simm.s32 $0x1;
	s11 =	simm.s32 $0x2800  }
0x5: {  	s12 =	simm.s32 $0x5000;
	s13 =	simm.s32 $0x7800;
	s14 =	simm.s32 $0x2  }
0x6: {  	s15 =	simm.s32 $0x0;
	s5 =	sand.u32 $0x1, s1;
	s29 =	sshrl.u32 s0, $0x2  }
0x7: {  	s2 =	sshll.u32 s0, $0x8;
	s1 =	rddreg [dreg:$0x2];
	s6 =	smul.u32 $0x14000, s29  }
0x8: {  	s7 =	sshll.u32 s5, $0x7;
	s8 =	sand.u32 $0x300, s2;
	s2 =	simm.s32 $0x0  }
0x9: {  	s5 =	ssub.s32 $0x2, s5;
	s7 =	sor.u32 s7, s8;
	[smem:$0x7FF] =	sst s2  }
0xa: {  	s30 =	sshrl.u32 s5, $0x1;
	s8 =	simm.s32 $0x80;
	s6 =	sor.u32 s6, s7  }
0xb: {  	_ =	strace $0x80000047;
	s7 =	ssub.s32 s5, s30;
	s6 =	sshrl.u32 s6, $0x3  }
0xc: {  	s7 =	smax.u32 s7, $0x1;
	s31 =	sadd.s32 s6, s4;
	s3 =	sadd.s32 s3, s6  }
0xd: {  	v0 =	vimm.f32 $0.0e+00;
	v1 =	vimm.f32 $1.000000000e+00;
	s4 =	sadd.s32 $0x16400, s31;
	s5 =	sadd.s32 $0x20400, s31;
	s6 =	sadd.s32 $0x2A400, s31  }
.LBB2_1:
0xe: {  	[tilespmem:s2], [sflag:$0x1] =	stream.strided.gather [hbm4b:s3+s8], $0x2800, s9, s8, $0x38;
	[tilespmem:$0xA000] =	vst v63  }
0xf: {  	_ =	swait.ge [sflag:s10], $0x2800  }
0x10: {  	[sflag:s10] =	ssyncset.done $0x0  }
0x11: {  	[sflag:s10] =	ssyncadd.s32 $0xFFFFD800  }
0x12: {  	[tilespmem:s11], [sflag:$0x1] =	stream.strided.gather [hbm4b:s4+s8], $0x2800, s9, s8, $0x38;
	[tilespmem:$0xA000] =	vst v63  }
0x13: {  	_ =	swait.ge [sflag:s10], $0x2800  }
0x14: {  	[sflag:s10] =	ssyncset.done $0x0  }
0x15: {  	s16 =	simm.s32 $0x0;
	[sflag:s10] =	ssyncadd.s32 $0xFFFFD800  }
.LBB2_2:
0x16: {  	p0 =	sne.s32 s16, $0x9FC0  }
.Ltmp0:
0x17: {  	_ = 	snop;
	(pc) =	sbr.rel @p0 .LBB2_2-.Ltmp0, $4  }
0x18: {  	_ = 	snop  }
0x19: {  	s17 =	sshra.s32 s16, $0x2  }
0x1a: {  	[tilespmem:s17+$0x5000] =	vst v0  }
0x1b: {  	s16 =	sadd.s32 $0x40, s16;
	[tilespmem:s17+$0x7800] =	vst v0  }
0x1c: {  	s17 =	simm.s32 $0x0  }
0x1d: {  	s16 =	simm.s32 $0x40;
	v2 =	vld [tilespmem:s17+$0x0]  }
.LBB2_4:
0x1e: {  	p0 =	sne.s32 s16, $0x9FC0;
	v3 =	vld [tilespmem:s17+$0x2800];
	_ =	sdelay $0x4  }
.Ltmp1:
0x1f: {  	(pc) =	sbr.rel @p0 .LBB2_4-.Ltmp1, $4  }
0x20: {  	_ = 	snop  }
0x21: {  	[tilespmem:v2+s12+$0x0] =	vst.idx.add.f32.msk $0xffff, v1  }
0x22: {  	s17 =	sshra.s32 s16, $0x2;
	[tilespmem:v3+s13+$0x0] =	vst.idx.add.f32.msk $0xffff, v1  }
0x23: {  	s16 =	sadd.s32 $0x40, s16;
	v2 =	vld [tilespmem:s17+$0x0]  }
0x24: {  	_ = 	snop  }
0x25: {  	v3 =	vld [tilespmem:s17+$0x2800];
	_ =	sdelay $0x6  }
0x26: {  	[tilespmem:v2+s12+$0x0] =	vst.idx.add.f32.msk $0xffff, v1  }
0x27: {  	[tilespmem:v3+s13+$0x0] =	vst.idx.add.f32.msk $0xffff, v1  }
0x28: {  	[hbm4b:s5+s8] =	stream.strided.scatter [tilespmem:s12], [sflag:$0x2], $0x2800, s9, s8, $0x38;
	[tilespmem:$0xA000] =	vst v63  }
0x29: {  	s15 =	sadd.s32 $0x1, s15;
	_ =	swait.ge [sflag:s14], $0x2800  }
0x2a: {  	p0 =	sne.s32 s15, s7;
	[sflag:s14] =	ssyncset.done $0x0  }
.Ltmp2:
0x2b: {  	[sflag:s14] =	ssyncadd.s32 $0xFFFFD800;
	(pc) =	sbr.rel @p0 .LBB2_1-.Ltmp2, $4  }
0x2c: {  	[hbm4b:s6+s8] =	stream.strided.scatter [tilespmem:s13], [sflag:$0x2], $0x2800, s9, s8, $0x38;
	[tilespmem:$0xA000] =	vst v63  }
0x2d: {  	_ =	swait.ge [sflag:s14], $0x2800  }
0x2e: {  	[sflag:s14] =	ssyncset.done $0x0  }
0x2f: {  	[sflag:s14] =	ssyncadd.s32 $0xFFFFD800  }
0x30: {  	_ =	sfence.sel $0x180000  }
0x31: {  	[bflag:$0x0] =	sbarrier.arrive $0xFFFF  }
0x32: {  	p0 =	sne.s32 s0, $0x0;
	_ =	strace $0x90000047  }
0x33: {  	s0 =	sadd.s32 @!p0 $0x100000, s1;
	[bflag:$0x2] =	sbarrier.arrive $0xFFFF  }
0x34: {  	[sflag:s0] =	ssyncadd.tile.s32 @!p0 $0x1;
	_ =	shalt  }
.Lfunc_end2:
_tile_overlayer_lowered:
.L_overlay_start_2:
0x35: {  	(tag) =	ssettag $0x2  }
0x36: {  	s0 =	rddreg [dreg:$0x0];
	s2 =	stileid.u32  }
0x37: {  	s1 =	rddreg [dreg:$0x1];
	p0 =	sne.s32 s2, $0x0  }
0x38: {  	s3 =	rddreg [dreg:$0x2];
	[bflag:$0x3] =	sbarrier.arrive $0xFFFF;
	s2 =	simm.s32 @!p0 $0x1C02  }
0x39: {  	[timem:s3], [sflag:s2] =	dma.local @!p0 [hbm:s0], s1  }
0x3a: {  	s0 =	simm.s32 @!p0 $0x2  }
0x3b: {  	_ =	swait.ge @!p0 [sflag:s0], s1  }
0x3c: {  	s1 =	ssub.s32 @!p0 $0x0, s1;
	[sflag:s0] =	ssyncset.done @!p0 $0x0  }
0x3d: {  	[sflag:s0] =	ssyncadd.s32 @!p0 s1  }
0x3e: {  	[bflag:$0x3] =	sbarrier.arrive $0xFFFF  }
0x3f: {  	_ =	shalt  }

// kernel: kernel.9.cloned.1.call-start
scs
__scs_entry_jumppad:
0x0: {  	(pc) =	sbr.rel $0x88, $3  }
0x1: {  	(tag) =	ssettag $0x0;
	lr =	simm.s32 $0x1  }
0x2: {  	[smem:$0x3F9C] =	sst lr;
	_ =	strace $0xD0000000  }
0x3: {  	_ = 	snop  }
0x4: {  	_ = 	snop  }
0x5: {  	_ = 	snop  }
0x6: {  	_ = 	snop  }
0x7: {  	_ = 	snop  }
__scs_overlays_trampoline_lowered:
0x8: {  	[smem:$0x3FAB] =	sst s0  }
0x9: {  	[smem:$0x3FAC] =	sst s1  }
0xa: {  	[smem:$0x3FAD] =	sst s2  }
0xb: {  	[smem:$0x3FAE] =	sst s3  }
0xc: {  	[smem:$0x3FAF] =	sst s4  }
0xd: {  	[smem:$0x3FB0] =	sst s5  }
0xe: {  	[smem:$0x3FB1] =	sst s6  }
0xf: {  	[smem:$0x3FB2] =	sst s7  }
0x10: {  	[smem:$0x3FB3] =	sst s8  }
0x11: {  	[smem:$0x3FB4] =	sst s9;
	s0 =	simm.s32 @!p0 $0x0  }
0x12: {  	s1 =	sld [smem:$0x3F9A];
	s0 =	simm.s32 @p0 $0x1  }
0x13: {  	[smem:$0x3FB5] =	sst s0;
	s0 =	simm.s32 @!p1 $0x0  }
0x14: {  	s2 =	sld [smem:$0x3F99];
	s0 =	simm.s32 @p1 $0x1  }
0x15: {  	[smem:$0x3FB6] =	sst s0;
	s0 =	simm.s32 @!p2 $0x0  }
0x16: {  	s3 =	sld [smem:$0x3FDB];
	s0 =	simm.s32 @p2 $0x1  }
0x17: {  	s4 =	simm.s32 $0x1BF5;
	[smem:$0x3FB8] =	sst s0  }
0x18: {  	s0 =	sld [smem:$0x3F9B];
	_ =	swait.ge [sflag:s4], $0x0  }
0x19: {  	s7 =	sld [smem:$0x3F9C]  }
0x1a: {  	s8 =	sadd.s32 $0xFFFFE003, lr  }
0x1b: {  	s9 =	sadd.s32 $0xFFFFFEF7, lr;
	s5 =	simm.s32 $0xFFFFFFFF;
	p2 =	slt.u32 s8, $0xFFFFF086  }
0x1c: {  	p1 =	slt.u32 s9, $0xF7A;
	s5 =	simm.s32 @!p2 $0x0  }
0x1d: {  	s5 =	simm.s32 @p1 $0x1;
	p0 =	seq.s32 s7, s2  }
0x1e: {  	s7 =	smul.u32 @!p0 $0xF7A, s2;
	p2 =	seq.s32 @!p0 s5, $0x0  }
0x1f: {  	s9 =	smul.u32 $0xF7A, s1;
	s8 =	simm.s32 @!p0 $0x1BF5;
	p2 =	por !p2, p0  }
0x20: {  	[sflag:s8] =	ssyncset.s32 @!p0 $0xFFFFF086;
	s6 =	sadd.s32 @!p0 s3, s7;
	s7 =	simm.s32 @!p0 $0x108  }
0x21: {  	s3 =	sadd.s32 s3, s9;
	s6 =	sadd.s32 @!p0 $0x88, s6;
	s7 =	simm.s32 @p2 $0x1082  }
0x22: {  	[simem:s7], [sflag:s8] =	dma.local @!p0 [hbm:s6], $0xF7A  }
0x23: {  	s9 =	sor.u32 $0xD0000000, s2;
	s6 =	simm.s32 $0x108;
	_ =	swait.ge @!p0 [sflag:s8], $0x0  }
0x24: {  	s3 =	sadd.s32 $0x88, s3;
	s6 =	simm.s32 @!p1 $0x1082;
	[sflag:s4] =	ssyncset.s32 $0xFFFFF086  }
0x25: {  	[simem:s6], [sflag:s4] =	dma.local [hbm:s3], $0xF7A  }
0x26: {  	[smem:$0x3F9C] =	sst s1;
	(tag) =	ssettag s2;
	_ =	strace s9  }
0x27: {  	s1 =	sld [smem:$0x3FAC]  }
0x28: {  	s2 =	sld [smem:$0x3FAD]  }
0x29: {  	s4 =	sld [smem:$0x3FAF]  }
0x2a: {  	p0 =	seq.s32 s5, $0x0;
	s5 =	sld [smem:$0x3FB0]  }
0x2b: {  	s6 =	sld [smem:$0x3FB1]  }
0x2c: {  	s7 =	sld [smem:$0x3FB2]  }
0x2d: {  	s3 =	simm.s32 $0x108;
	s8 =	sld [smem:$0x3FB3]  }
0x2e: {  	s3 =	simm.s32 @!p0 $0x1082;
	s9 =	sld [smem:$0x3FB4]  }
0x2f: {  	lr =	sadd.s32 s0, s3;
	s0 =	sld [smem:$0x3FAB]  }
0x30: {  	s3 =	sld [smem:$0x3FAE]  }
0x31: {  	[smem:$0x3FB7] =	sst s10  }
0x32: {  	s10 =	sld [smem:$0x3FB5];
	_ =	sdelay $0x3  }
0x33: {  	p0 =	seq.s32 s10, $0x1;
	s10 =	sld [smem:$0x3FB7];
	_ =	sdelay $0x3  }
0x34: {  	[smem:$0x3FB7] =	sst s10  }
0x35: {  	s10 =	sld [smem:$0x3FB6];
	_ =	sdelay $0x3  }
0x36: {  	p1 =	seq.s32 s10, $0x1;
	s10 =	sld [smem:$0x3FB7];
	_ =	sdelay $0x3  }
0x37: {  	[smem:$0x3FB7] =	sst s10  }
0x38: {  	s10 =	sld [smem:$0x3FB8]  }
0x39: {  	_ = 	snop;
	(pc) =	sbr.ind lr, $3  }
0x3a: {  	_ = 	snop  }
0x3b: {  	_ = 	snop  }
0x3c: {  	p2 =	seq.s32 s10, $0x1;
	s10 =	sld [smem:$0x3FB7]  }
0x3d: {  	_ =	shalt  }
0x3e: {  	_ =	shalt  }
0x3f: {  	_ =	shalt  }
0x40: {  	_ =	shalt  }
0x41: {  	_ =	shalt  }
0x42: {  	_ =	shalt  }
0x43: {  	_ =	shalt  }
0x44: {  	_ =	shalt  }
0x45: {  	_ =	shalt  }
0x46: {  	_ =	shalt  }
0x47: {  	_ =	shalt  }
0x48: {  	_ =	shalt  }
0x49: {  	_ =	shalt  }
0x4a: {  	_ =	shalt  }
0x4b: {  	_ =	shalt  }
0x4c: {  	_ =	shalt  }
0x4d: {  	_ =	shalt  }
0x4e: {  	_ =	shalt  }
0x4f: {  	_ =	shalt  }
0x50: {  	_ =	shalt  }
0x51: {  	_ =	shalt  }
0x52: {  	_ =	shalt  }
0x53: {  	_ =	shalt  }
0x54: {  	_ =	shalt  }
0x55: {  	_ =	shalt  }
0x56: {  	_ =	shalt  }
0x57: {  	_ =	shalt  }
0x58: {  	_ =	shalt  }
0x59: {  	_ =	shalt  }
0x5a: {  	_ =	shalt  }
0x5b: {  	_ =	shalt  }
0x5c: {  	_ =	shalt  }
0x5d: {  	_ =	shalt  }
0x5e: {  	_ =	shalt  }
0x5f: {  	_ =	shalt  }
0x60: {  	_ =	shalt  }
0x61: {  	_ =	shalt  }
0x62: {  	_ =	shalt  }
0x63: {  	_ =	shalt  }
0x64: {  	_ =	shalt  }
0x65: {  	_ =	shalt  }
0x66: {  	_ =	shalt  }
0x67: {  	_ =	shalt  }
0x68: {  	_ =	shalt  }
0x69: {  	_ =	shalt  }
0x6a: {  	_ =	shalt  }
0x6b: {  	_ =	shalt  }
0x6c: {  	_ =	shalt  }
0x6d: {  	_ =	shalt  }
0x6e: {  	_ =	shalt  }
0x6f: {  	_ =	shalt  }
0x70: {  	_ =	shalt  }
0x71: {  	_ =	shalt  }
0x72: {  	_ =	shalt  }
0x73: {  	_ =	shalt  }
0x74: {  	_ =	shalt  }
0x75: {  	_ =	shalt  }
0x76: {  	_ =	shalt  }
0x77: {  	_ =	shalt  }
0x78: {  	_ =	shalt  }
0x79: {  	_ =	shalt  }
0x7a: {  	_ =	shalt  }
0x7b: {  	_ =	shalt  }
0x7c: {  	_ =	shalt  }
0x7d: {  	_ =	shalt  }
0x7e: {  	_ =	shalt  }
0x7f: {  	_ =	shalt  }
0x80: {  	_ =	shalt  }
0x81: {  	_ =	shalt  }
0x82: {  	_ =	shalt  }
0x83: {  	_ =	shalt  }
0x84: {  	_ =	shalt  }
0x85: {  	_ =	shalt  }
0x86: {  	_ =	shalt  }
0x87: {  	_ =	shalt  }
.Lfunc_end0:
.L_simem_size_0:
called_computation.1_lowered:
.L_overlay_start_0:
0x88: {  	s2 =	sld [smem:$0x3FD9]  }
0x89: {  	s3 =	sld [smem:$0x3FFE];
	_ =	sdelay $0x1  }
0x8a: {  	s1 =	srdreg.scid  }
0x8b: {  	s0 =	sand.u32 $0x1, s1  }
0x8c: {  	s17 =	sshll.u32 s0, $0xA;
	s2 =	sadd.s32 s3, s2  }
0x8d: {  	s2 =	sadd.s32 s2, s17  }
0x8e: {  	[smem:$0x3FC3] =	sst s2  }
0x8f: {  	_ = 	snop  }
0x90: {  	s2 =	sld [smem:$0x3FD0];
	(tm) =	ssettm $0x1  }
0x91: {  	s18 =	sld [smem:$0x3FFB];
	_ =	sdelay $0x3  }
0x92: {  	_ =	strace s18  }
0x93: {  	s3 =	sld [smem:$0x3FFC];
	_ =	sdelay $0x3  }
0x94: {  	_ =	strace s3  }
0x95: {  	s3 =	sld [smem:$0x3FFD];
	_ =	sdelay $0x3  }
0x96: {  	_ =	strace s3  }
0x97: {  	_ =	strace $0x8FFFFFFF  }
0x98: {  	s19 =	sld [smem:$0x3FDB];
	_ =	sdelay $0x1  }
0x99: {  	s4 =	simm.s32 $_scs_section_size  }
0x9a: {  	s5 =	simm.s32 $_size__tile_overlayer_lowered;
	s6 =	simm.s32 $_tile_overlayer_lowered  }
0x9b: {  	s22 =	simm.s32 $0x1BFF;
	s21 =	sshll.u32 s6, $0x1;
	s3 =	sadd.s32 s4, s19  }
0x9c: {  	s7 =	simm.s32 $0x0;
	s20 =	sshll.u32 s5, $0x1;
	s5 =	sadd.s32 s21, s3  }
0x9d: {  	[timem:s7], [sflag:s22] =	dma.local [hbm:s5], s20  }
0x9e: {  	_ =	swait.ge [sflag:s22], s20  }
0x9f: {  	s4 =	ssub.s32 $0x0, s20;
	[sflag:s22] =	ssyncset.done $0x0  }
0xa0: {  	[sflag:s22] =	ssyncadd.s32 s4;
	_ =	sdelay $0x1  }
0xa1: {  	s23 =	simm.s32 $0x1B8B  }
0xa2: {  	_ =	swait.ge [sflag:s23], $0x1  }
0xa3: {  	[sflag:s23] =	ssyncset.done $0x0  }
0xa4: {  	s25 =	simm.s32 $0x1B8E;
	s24 =	sld [smem:$0x3FFE];
	[sflag:s23] =	ssyncadd.s32 $0xFFFFFFFF  }
0xa5: {  	s26 =	simm.s32 $execute0_lowered;
	[smem:$0x3FD2] =	sst s25  }
0xa6: {  	s5 =	sshll.u32 s26, $0x1;
	_ =	strace $0x80000049;
	[dreg:$0x1] =	wrdreg $0xFFFFFFFF  }
0xa7: {  	s28 =	simm.s32 $_size_execute0_lowered;
	s3 =	sadd.s32 s3, s5;
	[dreg:$0x0] =	wrdreg $0x0  }
0xa8: {  	s5 =	sshll.u32 s28, $0x1;
	[dreg:$0x2] =	wrdreg s3  }
0xa9: {  	[dreg:$0x3] =	wrdreg s5  }
0xaa: {  	[dreg:$0x4] =	wrdreg $0xC0  }
0xab: {  	_ =	task [dreg:s7], $0x5FFFF  }
0xac: {  	[dreg:$0x1] =	wrdreg $0xFFFFFFFF  }
0xad: {  	[dreg:$0x0] =	wrdreg $0x60  }
0xae: {  	[dreg:$0x2] =	wrdreg s2  }
0xaf: {  	[dreg:$0x3] =	wrdreg s24  }
0xb0: {  	[dreg:$0x4] =	wrdreg $0x90000  }
0xb1: {  	[dreg:$0x5] =	wrdreg $0x9  }
0xb2: {  	_ =	task.clear_ibuf [dreg:s7], $0x6FFFF;
	_ =	strace $0x90000049  }
0xb3: {  	s29 =	simm.s32 $0x9;
	_ =	strace $0x8000004B  }
0xb4: {  	_ =	swait.ge [sflag:s29], $0x1  }
0xb5: {  	[sflag:s29] =	ssyncadd.s32 $0xFFFFFFFF  }
0xb6: {  	_ =	strace $0x9000004B  }
0xb7: {  	_ =	sfence  }
0xb8: {  	s30 =	sld [smem:$0x0];
	_ =	sdelay $0x2  }
0xb9: {  	s31 =	sshll.u32 s1, $0xD;
	s1 =	sshrl.u32 s1, $0x2  }
0xba: {  	s3 =	sand.u32 $0x4000, s31;
	s1 =	sadd.s32 s1, s30  }
0xbb: {  	s0 =	sor.u32 s3, s0;
	s1 =	sshll.u32 s1, $0x11  }
0xbc: {  	s0 =	sor.u32 s1, s0  }
0xbd: {  	s0 =	sadd.s32 $0x8F2B, s0  }
0xbe: {  	[sflag:s0] =	ssyncadd.remote.s32 $0x1  }
0xbf: {  	_ =	sfence.sel $0xFFFF  }
0xc0: {  	[dreg:$0x0] =	wrdreg $0xFFFFFFFF;
	(pc) =	sbr.abs _section_cstart, $3  }
0xc1: {  	[dreg:$0x1] =	wrdreg $0xFFFFFFFF  }
0xc2: {  	_ =	task.clear_ibuf [dreg:s7], $0x2FFFF;
	_ =	strace $0x9FFFFFFF  }
0xc3: {  	(tm) =	ssettm $0x7FFFFFFF  }
tec
execute0_lowered:
.L_overlay_start_1:
0x0: {  	(tag) =	ssettag $0x1  }
0x1: {  	s1 =	rddreg [dreg:$0x0]  }
0x2: {  	s0 =	rddreg [dreg:$0x1]  }
0x3: {  	s3 =	rddreg [dreg:$0x2]  }
0x4: {  	s2 =	srdreg.scid;
	s11 =	stileid.u32;
	s4 =	simm.s32 $0x0  }
0x5: {  	s28 =	simm.s32 $0x80;
	s29 =	simm.s32 $0x5000;
	s30 =	simm.s32 $0x1  }
0x6: {  	s13 =	simm.s32 $0xE00;
	s2 =	sand.u32 $0x1, s2;
	s10 =	smul.u32 $0x50000, s11  }
0x7: {  	s5 =	sshll.u32 s11, $0x1;
	[smem:$0x7FF] =	sst s4;
	s18 =	smul.u32 $0x5000, s11  }
0x8: {  	s6 =	sadd.s32 $0xC400, s0;
	s23 =	smul.u32 $0x2800, s11;
	s11 =	simm.s32 $0x4  }
0x9: {  	s5 =	sor.u32 s2, s5;
	_ =	strace $0x8000004A;
	s8 =	ssub.s32 $0x2, s2  }
0xa: {  	s21 =	smul.u32 $0x2800, s2;
	p0 =	seq.s32 s2, $0x1;
	s2 =	simm.s32 $0x5C400  }
0xb: {  	s7 =	smul.u32 $0x2800, s5;
	s5 =	sadd.s32 $0x2400, s0;
	s9 =	sshrl.u32 s8, $0x1  }
0xc: {  	s17 =	sshrl.u32 s10, $0x2;
	s2 =	simm.s32 @!p0 $0x34400;
	s10 =	simm.s32 $0xD80  }
0xd: {  	s8 =	ssub.s32 s8, s9;
	s12 =	sadd.s32 s17, s3;
	s0 =	sadd.s32 s2, s0  }
0xe: {  	s17 =	simm.s32 $0xF00;
	s19 =	sadd.s32 $0x4000, s12;
	[dreg:$0x8] =	wrdreg s12  }
0xf: {  	s7 =	sshrl.u32 s7, $0x3;
	s20 =	sadd.s32 $0x8000, s12;
	[dreg:$0x9] =	wrdreg s19  }
0x10: {  	s22 =	sadd.s32 $0xC000, s12;
	s24 =	sadd.s32 $0x10000, s12;
	[dreg:$0xa] =	wrdreg s20  }
0x11: {  	s8 =	smax.u32 s8, $0x1;
	s0 =	sadd.s32 s0, s23;
	[dreg:$0xb] =	wrdreg s22  }
0x12: {  	s23 =	simm.s32 $0xC00;
	s12 =	simm.s32 $0xA80;
	[dreg:$0xc] =	wrdreg s24  }
0x13: {  	s14 =	sadd.s32 s5, s7;
	s15 =	sor.u32 $0x80, s7;
	[dreg:$0xd] =	wrdreg s8  }
0x14: {  	s7 =	sadd.s32 s6, s7;
	[dreg:$0xe] =	wrdreg s0;
	s22 =	simm.s32 $0x800  }
0x15: {  	s24 =	simm.s32 $0x1000;
	s0 =	simm.s32 $0x2;
	[dreg:$0x4] =	wrdreg s14  }
0x16: {  	s20 =	simm.s32 $0xF80;
	[dreg:$0x5] =	wrdreg s7;
	s16 =	sadd.s32 s5, s15  }
0x17: {  	s9 =	sadd.s32 s6, s15;
	s7 =	sadd.s32 s21, s18;
	s14 =	simm.s32 $0xB00  }
.Ltmp0:
0x18: {  	s15 =	simm.s32 $0xE80;
	[dreg:$0x6] =	wrdreg s16;
	(pc) =	sbr.rel .LBB2_1-.Ltmp0, $4  }
0x19: {  	[dreg:$0x7] =	wrdreg s9;
	s25 =	sadd.s32 $0xC00, s7;
	s31 =	sadd.s32 $0x800, s7  }
0x1a: {  	s9 =	simm.s32 $0xA00;
	s16 =	simm.s32 $0xB80;
	s7 =	simm.s32 $0x0  }
0x1b: {  	s26 =	sshrl.u32 s25, $0x3;
	[dreg:$0xf] =	wrdreg s31;
	s25 =	simm.s32 $0x5  }
0x1c: {  	v0 =	vimm.f32 $0.0e+00;
	s18 =	sadd.s32 s26, s6;
	s19 =	sadd.s32 s26, s5;
	s26 =	simm.s32 $0x3  }
.LBB2_6:
0x1d: {  	s2 =	stileid.u32;
	[bflag:$0x0] =	sbarrier.arrive $0xFFFF  }
0x1e: {  	s2 =	sshll.u32 s2, $0x6;
	s7 =	rddreg [dreg:$0x8]  }
0x1f: {  	s8 =	rddreg [dreg:$0xe];
	s2 =	sor.u32 $0x1C05, s2;
	s7 =	sshrl.u32 s7, $0x3  }
0x20: {  	[hbm:s8], [sflag:s2] =	dma.local [spmem:s7], $0x2800  }
0x21: {  	_ =	swait.ge [sflag:s25], $0x2800  }
0x22: {  	s21 =	rddreg [dreg:$0x10]  }
0x23: {  	s31 =	rddreg [dreg:$0xd];
	s7 =	sadd.s32 $0x1, s21  }
0x24: {  	p0 =	sne.s32 s7, s31  }
.Ltmp1:
0x25: {  	_ = 	snop;
	(pc) =	sbr.rel @!p0 .LBB2_7-.Ltmp1, $3  }
0x26: {  	_ =	sdelay $0x1  }
0x27: {  	[sflag:s25] =	ssyncset.done $0x0  }
0x28: {  	[sflag:s25] =	ssyncadd.s32 $0xFFFFD800  }
.LBB2_1:
0x29: {  	s2 =	rddreg [dreg:$0x4]  }
0x2a: {  	[tilespmem:s4], [sflag:$0x3] =	stream.linear.gather [hbm4b:s2+s4], $0x400, $0x38;
	[tilespmem:$0x1D000] =	vst v63  }
0x2b: {  	s8 =	rddreg [dreg:$0x5];
	s21 =	simm.s32 $0x400  }
0x2c: {  	[tilespmem:s21], [sflag:$0x3] =	stream.linear.gather [hbm4b:s8+s4], $0x400, $0x38;
	[tilespmem:$0x1D000] =	vst v63  }
0x2d: {  	s8 =	rddreg [dreg:$0x6]  }
0x2e: {  	[tilespmem:s22], [sflag:$0x4] =	stream.linear.gather [hbm4b:s8+s4], $0x400, $0x38;
	[tilespmem:$0x1D000] =	vst v63  }
0x2f: {  	s21 =	rddreg [dreg:$0x7]  }
0x30: {  	[tilespmem:s23], [sflag:$0x4] =	stream.linear.gather [hbm4b:s21+s4], $0x400, $0x38;
	[tilespmem:$0x1D000] =	vst v63  }
0x31: {  	[dreg:$0x10] =	wrdreg s7;
	s31 =	simm.s32 $0x200;
	s21 =	simm.s32 $0x0  }
.LBB2_2:
0x32: {  	p0 =	sne.s32 s31, $0xFE00;
	[tilespmem:s21+$0x1070] =	vst v0  }
0x33: {  	[tilespmem:s21+$0x1000] =	vst v0  }
0x34: {  	[tilespmem:s21+$0x1010] =	vst v0  }
.Ltmp2:
0x35: {  	[tilespmem:s21+$0x1020] =	vst v0;
	(pc) =	sbr.rel @p0 .LBB2_2-.Ltmp2, $4  }
0x36: {  	[tilespmem:s21+$0x1030] =	vst v0  }
0x37: {  	[tilespmem:s21+$0x1040] =	vst v0  }
0x38: {  	[tilespmem:s21+$0x1050] =	vst v0  }
0x39: {  	[tilespmem:s21+$0x1060] =	vst v0;
	s21 =	sshra.s32 s31, $0x2;
	s31 =	sadd.s32 $0x200, s31  }
0x3a: {  	[tilespmem:s21+$0x1070] =	vst v0  }
0x3b: {  	[tilespmem:s21+$0x1000] =	vst v0  }
0x3c: {  	[tilespmem:s21+$0x1010] =	vst v0  }
0x3d: {  	[tilespmem:s21+$0x1020] =	vst v0  }
0x3e: {  	[tilespmem:s21+$0x1030] =	vst v0  }
0x3f: {  	[tilespmem:s21+$0x1040] =	vst v0  }
0x40: {  	[tilespmem:s21+$0x1050] =	vst v0  }
0x41: {  	[tilespmem:s21+$0x1060] =	vst v0;
	s2 =	rddreg [dreg:$0x8]  }
0x42: {  	[spmem:s2] =	stream.linear.scatter [tilespmem:s24], [sflag:$0x5], $0x4000, $0x38;
	[tilespmem:$0x1D000] =	vst v63  }
0x43: {  	_ =	swait.ge [sflag:s25], $0x4000  }
0x44: {  	[sflag:s25] =	ssyncset.done $0x0  }
0x45: {  	s21 =	rddreg [dreg:$0x9];
	[sflag:s25] =	ssyncadd.s32 $0xFFFFC000  }
0x46: {  	[spmem:s21] =	stream.linear.scatter [tilespmem:s24], [sflag:$0x5], $0x4000, $0x38;
	[tilespmem:$0x1D000] =	vst v63  }
0x47: {  	_ =	swait.ge [sflag:s25], $0x4000  }
0x48: {  	[sflag:s25] =	ssyncset.done $0x0  }
0x49: {  	s7 =	rddreg [dreg:$0xa];
	[sflag:s25] =	ssyncadd.s32 $0xFFFFC000  }
0x4a: {  	[spmem:s7] =	stream.linear.scatter [tilespmem:s24], [sflag:$0x5], $0x4000, $0x38;
	[tilespmem:$0x1D000] =	vst v63  }
0x4b: {  	_ =	swait.ge [sflag:s25], $0x4000  }
0x4c: {  	[sflag:s25] =	ssyncset.done $0x0  }
0x4d: {  	s8 =	rddreg [dreg:$0xb];
	[sflag:s25] =	ssyncadd.s32 $0xFFFFC000  }
0x4e: {  	[spmem:s8] =	stream.linear.scatter [tilespmem:s24], [sflag:$0x5], $0x4000, $0x38;
	[tilespmem:$0x1D000] =	vst v63  }
0x4f: {  	_ =	swait.ge [sflag:s25], $0x4000  }
0x50: {  	[sflag:s25] =	ssyncset.done $0x0  }
0x51: {  	s21 =	rddreg [dreg:$0xc];
	[sflag:s25] =	ssyncadd.s32 $0xFFFFC000  }
0x52: {  	[spmem:s21] =	stream.linear.scatter [tilespmem:s24], [sflag:$0x5], $0x4000, $0x38;
	[tilespmem:$0x1D000] =	vst v63  }
0x53: {  	_ =	swait.ge [sflag:s25], $0x4000  }
0x54: {  	[sflag:s25] =	ssyncset.done $0x0  }
0x55: {  	[sflag:s25] =	ssyncadd.s32 $0xFFFFC000  }
0x56: {  	[bflag:$0x0] =	sbarrier.arrive $0xFFFF  }
0x57: {  	s31 =	simm.s32 $0x0;
	s21 =	rddreg [dreg:$0xf]  }
.LBB2_4:
0x58: {  	_ =	swait.ge [sflag:s26], $0x400  }
0x59: {  	[sflag:s26] =	ssyncset.done $0x0  }
0x5a: {  	[sflag:s26] =	ssyncadd.s32 $0xFFFFFC00  }
0x5b: {  	_ =	swait.ge [sflag:s26], $0x400  }
0x5c: {  	[sflag:s26] =	ssyncset.done $0x0  }
0x5d: {  	[sflag:s26] =	ssyncadd.s32 $0xFFFFFC00  }
0x5e: {  	[tilespmem:s24], [sflag:$0x1] =	stream.indirect.gather [hbm4b:s1+s28], $0x80, s4, s28, $0xb8;
	[tilespmem:$0x1D000] =	vst v63  }
0x5f: {  	_ = 	snop  }
0x60: {  	[tilespmem:s29], [sflag:$0x2] =	stream.indirect.gather [hbm4b:s1+s28], $0x80, s28, s28, $0xb8;
	[tilespmem:$0x1D000] =	vst v63  }
0x61: {  	_ =	swait.ge [sflag:s30], $0x4000  }
0x62: {  	[sflag:s30] =	ssyncset.done $0x0  }
0x63: {  	s2 =	simm.s32 $0x400;
	[sflag:s30] =	ssyncadd.s32 $0xFFFFC000  }
0x64: {  	[spmem:s3] =	stream.indirect.scatter.add.f32 [tilespmem:s24], [sflag:$0x5], $0x80, s2, s28, $0xb8;
	[tilespmem:$0x1D000] =	vst v63  }
0x65: {  	_ =	swait.ge [sflag:s25], $0x4000  }
0x66: {  	[sflag:s25] =	ssyncset.done $0x0  }
0x67: {  	s7 =	simm.s32 $0x100;
	[sflag:s25] =	ssyncadd.s32 $0xFFFFC000  }
0x68: {  	[tilespmem:s24], [sflag:$0x1] =	stream.indirect.gather [hbm4b:s1+s28], $0x80, s7, s28, $0xb8;
	[tilespmem:$0x1D000] =	vst v63  }
0x69: {  	_ =	swait.ge [sflag:s0], $0x4000  }
0x6a: {  	[sflag:s0] =	ssyncset.done $0x0  }
0x6b: {  	s8 =	simm.s32 $0x480;
	[sflag:s0] =	ssyncadd.s32 $0xFFFFC000  }
0x6c: {  	[spmem:s3] =	stream.indirect.scatter.add.f32 [tilespmem:s29], [sflag:$0x5], $0x80, s8, s28, $0xb8;
	[tilespmem:$0x1D000] =	vst v63  }
0x6d: {  	_ =	swait.ge [sflag:s25], $0x4000  }
0x6e: {  	[sflag:s25] =	ssyncset.done $0x0  }
0x6f: {  	s7 =	simm.s32 $0x180;
	[sflag:s25] =	ssyncadd.s32 $0xFFFFC000  }
0x70: {  	[tilespmem:s29], [sflag:$0x2] =	stream.indirect.gather [hbm4b:s1+s28], $0x80, s7, s28, $0xb8;
	[tilespmem:$0x1D000] =	vst v63  }
0x71: {  	_ =	swait.ge [sflag:s30], $0x4000  }
0x72: {  	[sflag:s30] =	ssyncset.done $0x0  }
0x73: {  	s8 =	simm.s32 $0x500;
	[sflag:s30] =	ssyncadd.s32 $0xFFFFC000  }
0x74: {  	[spmem:s3] =	stream.indirect.scatter.add.f32 [tilespmem:s24], [sflag:$0x5], $0x80, s8, s28, $0xb8;
	[tilespmem:$0x1D000] =	vst v63  }
0x75: {  	_ =	swait.ge [sflag:s25], $0x4000  }
0x76: {  	[sflag:s25] =	ssyncset.done $0x0  }
0x77: {  	s7 =	simm.s32 $0x200;
	[sflag:s25] =	ssyncadd.s32 $0xFFFFC000  }
0x78: {  	[tilespmem:s24], [sflag:$0x1] =	stream.indirect.gather [hbm4b:s1+s28], $0x80, s7, s28, $0xb8;
	[tilespmem:$0x1D000] =	vst v63  }
0x79: {  	_ =	swait.ge [sflag:s0], $0x4000  }
0x7a: {  	[sflag:s0] =	ssyncset.done $0x0  }
0x7b: {  	s8 =	simm.s32 $0x580;
	[sflag:s0] =	ssyncadd.s32 $0xFFFFC000  }
0x7c: {  	[spmem:s3] =	stream.indirect.scatter.add.f32 [tilespmem:s29], [sflag:$0x5], $0x80, s8, s28, $0xb8;
	[tilespmem:$0x1D000] =	vst v63  }
0x7d: {  	_ =	swait.ge [sflag:s25], $0x4000  }
0x7e: {  	[sflag:s25] =	ssyncset.done $0x0  }
0x7f: {  	s7 =	simm.s32 $0x280;
	[sflag:s25] =	ssyncadd.s32 $0xFFFFC000  }
0x80: {  	[tilespmem:s29], [sflag:$0x2] =	stream.indirect.gather [hbm4b:s1+s28], $0x80, s7, s28, $0xb8;
	[tilespmem:$0x1D000] =	vst v63  }
0x81: {  	_ =	swait.ge [sflag:s30], $0x4000  }
0x82: {  	[sflag:s30] =	ssyncset.done $0x0  }
0x83: {  	s8 =	simm.s32 $0x600;
	[sflag:s30] =	ssyncadd.s32 $0xFFFFC000  }
0x84: {  	[spmem:s3] =	stream.indirect.scatter.add.f32 [tilespmem:s24], [sflag:$0x5], $0x80, s8, s28, $0xb8;
	[tilespmem:$0x1D000] =	vst v63  }
0x85: {  	_ =	swait.ge [sflag:s25], $0x4000  }
0x86: {  	[sflag:s25] =	ssyncset.done $0x0  }
0x87: {  	s7 =	simm.s32 $0x300;
	[sflag:s25] =	ssyncadd.s32 $0xFFFFC000  }
0x88: {  	[tilespmem:s24], [sflag:$0x1] =	stream.indirect.gather [hbm4b:s1+s28], $0x80, s7, s28, $0xb8;
	[tilespmem:$0x1D000] =	vst v63  }
0x89: {  	_ =	swait.ge [sflag:s0], $0x4000  }
0x8a: {  	[sflag:s0] =	ssyncset.done $0x0  }
0x8b: {  	s8 =	simm.s32 $0x680;
	[sflag:s0] =	ssyncadd.s32 $0xFFFFC000  }
0x8c: {  	[spmem:s3] =	stream.indirect.scatter.add.f32 [tilespmem:s29], [sflag:$0x5], $0x80, s8, s28, $0xb8;
	[tilespmem:$0x1D000] =	vst v63  }
0x8d: {  	_ =	swait.ge [sflag:s25], $0x4000  }
0x8e: {  	[sflag:s25] =	ssyncset.done $0x0  }
0x8f: {  	s7 =	simm.s32 $0x380;
	[sflag:s25] =	ssyncadd.s32 $0xFFFFC000  }
0x90: {  	[tilespmem:s29], [sflag:$0x2] =	stream.indirect.gather [hbm4b:s1+s28], $0x80, s7, s28, $0xb8;
	[tilespmem:$0x1D000] =	vst v63  }
0x91: {  	_ =	swait.ge [sflag:s30], $0x4000  }
0x92: {  	[sflag:s30] =	ssyncset.done $0x0  }
0x93: {  	s8 =	simm.s32 $0x700;
	[sflag:s30] =	ssyncadd.s32 $0xFFFFC000  }
0x94: {  	[spmem:s3] =	stream.indirect.scatter.add.f32 [tilespmem:s24], [sflag:$0x5], $0x80, s8, s28, $0xb8;
	[tilespmem:$0x1D000] =	vst v63  }
0x95: {  	_ =	swait.ge [sflag:s25], $0x4000  }
0x96: {  	[sflag:s25] =	ssyncset.done $0x0  }
0x97: {  	[sflag:s25] =	ssyncadd.s32 $0xFFFFC000  }
0x98: {  	_ =	swait.ge [sflag:s0], $0x4000  }
0x99: {  	[sflag:s0] =	ssyncset.done $0x0  }
0x9a: {  	s7 =	simm.s32 $0x780;
	[sflag:s0] =	ssyncadd.s32 $0xFFFFC000  }
0x9b: {  	[spmem:s3] =	stream.indirect.scatter.add.f32 [tilespmem:s29], [sflag:$0x5], $0x80, s7, s28, $0xb8;
	[tilespmem:$0x1D000] =	vst v63  }
0x9c: {  	p0 =	seq.s32 s31, $0x400;
	_ =	swait.ge [sflag:s25], $0x4000  }
0x9d: {  	s2 =	sshrl.u32 @!p0 s21, $0x3;
	[sflag:s25] =	ssyncset.done $0x0  }
0x9e: {  	s8 =	simm.s32 @!p0 $0x0;
	s7 =	sadd.s32 @!p0 s5, s2;
	[sflag:s25] =	ssyncadd.s32 $0xFFFFC000  }
0x9f: {  	[tilespmem:s8], [sflag:$0x3] =	stream.linear.gather @!p0 [hbm4b:s7+s8], $0x400, $0x38;
	[tilespmem:$0x1D000] =	vst v63  }
0xa0: {  	s2 =	sadd.s32 @!p0 s6, s2;
	s7 =	simm.s32 @!p0 $0x400  }
0xa1: {  	[tilespmem:s7], [sflag:$0x3] =	stream.linear.gather @!p0 [hbm4b:s2+s8], $0x400, $0x38;
	[tilespmem:$0x1D000] =	vst v63  }
0xa2: {  	_ =	swait.ge [sflag:s11], $0x400  }
0xa3: {  	[sflag:s11] =	ssyncset.done $0x0  }
0xa4: {  	[sflag:s11] =	ssyncadd.s32 $0xFFFFFC00  }
0xa5: {  	_ =	swait.ge [sflag:s11], $0x400  }
0xa6: {  	[sflag:s11] =	ssyncset.done $0x0  }
0xa7: {  	[sflag:s11] =	ssyncadd.s32 $0xFFFFFC00  }
0xa8: {  	[tilespmem:s24], [sflag:$0x1] =	stream.indirect.gather [hbm4b:s1+s28], $0x80, s22, s28, $0xb8;
	[tilespmem:$0x1D000] =	vst v63  }
0xa9: {  	s8 =	simm.s32 $0x880  }
0xaa: {  	[tilespmem:s29], [sflag:$0x2] =	stream.indirect.gather [hbm4b:s1+s28], $0x80, s8, s28, $0xb8;
	[tilespmem:$0x1D000] =	vst v63  }
0xab: {  	_ =	swait.ge [sflag:s30], $0x4000  }
0xac: {  	[sflag:s30] =	ssyncset.done $0x0  }
0xad: {  	[sflag:s30] =	ssyncadd.s32 $0xFFFFC000  }
0xae: {  	[spmem:s3] =	stream.indirect.scatter.add.f32 [tilespmem:s24], [sflag:$0x5], $0x80, s23, s28, $0xb8;
	[tilespmem:$0x1D000] =	vst v63  }
0xaf: {  	_ =	swait.ge [sflag:s25], $0x4000  }
0xb0: {  	[sflag:s25] =	ssyncset.done $0x0  }
0xb1: {  	s7 =	simm.s32 $0x900;
	[sflag:s25] =	ssyncadd.s32 $0xFFFFC000  }
0xb2: {  	[tilespmem:s24], [sflag:$0x1] =	stream.indirect.gather [hbm4b:s1+s28], $0x80, s7, s28, $0xb8;
	[tilespmem:$0x1D000] =	vst v63  }
0xb3: {  	_ =	swait.ge [sflag:s0], $0x4000  }
0xb4: {  	[sflag:s0] =	ssyncset.done $0x0  }
0xb5: {  	s8 =	simm.s32 $0xC80;
	[sflag:s0] =	ssyncadd.s32 $0xFFFFC000  }
0xb6: {  	[spmem:s3] =	stream.indirect.scatter.add.f32 [tilespmem:s29], [sflag:$0x5], $0x80, s8, s28, $0xb8;
	[tilespmem:$0x1D000] =	vst v63  }
0xb7: {  	_ =	swait.ge [sflag:s25], $0x4000  }
0xb8: {  	[sflag:s25] =	ssyncset.done $0x0  }
0xb9: {  	s7 =	simm.s32 $0x980;
	[sflag:s25] =	ssyncadd.s32 $0xFFFFC000  }
0xba: {  	[tilespmem:s29], [sflag:$0x2] =	stream.indirect.gather [hbm4b:s1+s28], $0x80, s7, s28, $0xb8;
	[tilespmem:$0x1D000] =	vst v63  }
0xbb: {  	_ =	swait.ge [sflag:s30], $0x4000  }
0xbc: {  	[sflag:s30] =	ssyncset.done $0x0  }
0xbd: {  	s8 =	simm.s32 $0xD00;
	[sflag:s30] =	ssyncadd.s32 $0xFFFFC000  }
0xbe: {  	[spmem:s3] =	stream.indirect.scatter.add.f32 [tilespmem:s24], [sflag:$0x5], $0x80, s8, s28, $0xb8;
	[tilespmem:$0x1D000] =	vst v63  }
0xbf: {  	_ =	swait.ge [sflag:s25], $0x4000  }
0xc0: {  	[sflag:s25] =	ssyncset.done $0x0  }
0xc1: {  	[sflag:s25] =	ssyncadd.s32 $0xFFFFC000  }
0xc2: {  	[tilespmem:s24], [sflag:$0x1] =	stream.indirect.gather [hbm4b:s1+s28], $0x80, s9, s28, $0xb8;
	[tilespmem:$0x1D000] =	vst v63  }
0xc3: {  	_ =	swait.ge [sflag:s0], $0x4000  }
0xc4: {  	[sflag:s0] =	ssyncset.done $0x0  }
0xc5: {  	[sflag:s0] =	ssyncadd.s32 $0xFFFFC000  }
0xc6: {  	[spmem:s3] =	stream.indirect.scatter.add.f32 [tilespmem:s29], [sflag:$0x5], $0x80, s10, s28, $0xb8;
	[tilespmem:$0x1D000] =	vst v63  }
0xc7: {  	_ =	swait.ge [sflag:s25], $0x4000  }
0xc8: {  	[sflag:s25] =	ssyncset.done $0x0  }
0xc9: {  	[sflag:s25] =	ssyncadd.s32 $0xFFFFC000  }
0xca: {  	[tilespmem:s29], [sflag:$0x2] =	stream.indirect.gather [hbm4b:s1+s28], $0x80, s12, s28, $0xb8;
	[tilespmem:$0x1D000] =	vst v63  }
0xcb: {  	_ =	swait.ge [sflag:s30], $0x4000  }
0xcc: {  	[sflag:s30] =	ssyncset.done $0x0  }
0xcd: {  	[sflag:s30] =	ssyncadd.s32 $0xFFFFC000  }
0xce: {  	[spmem:s3] =	stream.indirect.scatter.add.f32 [tilespmem:s24], [sflag:$0x5], $0x80, s13, s28, $0xb8;
	[tilespmem:$0x1D000] =	vst v63  }
0xcf: {  	_ =	swait.ge [sflag:s25], $0x4000  }
0xd0: {  	[sflag:s25] =	ssyncset.done $0x0  }
0xd1: {  	[sflag:s25] =	ssyncadd.s32 $0xFFFFC000  }
0xd2: {  	[tilespmem:s24], [sflag:$0x1] =	stream.indirect.gather [hbm4b:s1+s28], $0x80, s14, s28, $0xb8;
	[tilespmem:$0x1D000] =	vst v63  }
0xd3: {  	_ =	swait.ge [sflag:s0], $0x4000  }
0xd4: {  	[sflag:s0] =	ssyncset.done $0x0  }
0xd5: {  	[sflag:s0] =	ssyncadd.s32 $0xFFFFC000  }
0xd6: {  	[spmem:s3] =	stream.indirect.scatter.add.f32 [tilespmem:s29], [sflag:$0x5], $0x80, s15, s28, $0xb8;
	[tilespmem:$0x1D000] =	vst v63  }
0xd7: {  	_ =	swait.ge [sflag:s25], $0x4000  }
0xd8: {  	[sflag:s25] =	ssyncset.done $0x0  }
0xd9: {  	[sflag:s25] =	ssyncadd.s32 $0xFFFFC000  }
0xda: {  	[tilespmem:s29], [sflag:$0x2] =	stream.indirect.gather [hbm4b:s1+s28], $0x80, s16, s28, $0xb8;
	[tilespmem:$0x1D000] =	vst v63  }
0xdb: {  	_ =	swait.ge [sflag:s30], $0x4000  }
0xdc: {  	[sflag:s30] =	ssyncset.done $0x0  }
0xdd: {  	[sflag:s30] =	ssyncadd.s32 $0xFFFFC000  }
0xde: {  	[spmem:s3] =	stream.indirect.scatter.add.f32 [tilespmem:s24], [sflag:$0x5], $0x80, s17, s28, $0xb8;
	[tilespmem:$0x1D000] =	vst v63  }
0xdf: {  	_ =	swait.ge [sflag:s25], $0x4000  }
0xe0: {  	[sflag:s25] =	ssyncset.done $0x0  }
0xe1: {  	[sflag:s25] =	ssyncadd.s32 $0xFFFFC000  }
0xe2: {  	_ =	swait.ge [sflag:s0], $0x4000  }
0xe3: {  	[sflag:s0] =	ssyncset.done $0x0  }
.Ltmp3:
0xe4: {  	[sflag:s0] =	ssyncadd.s32 $0xFFFFC000;
	(pc) =	sbr.rel @p0 .LBB2_6-.Ltmp3, $4  }
0xe5: {  	[spmem:s3] =	stream.indirect.scatter.add.f32 [tilespmem:s29], [sflag:$0x5], $0x80, s20, s28, $0xb8;
	[tilespmem:$0x1D000] =	vst v63  }
0xe6: {  	_ =	swait.ge [sflag:s25], $0x4000  }
0xe7: {  	[sflag:s25] =	ssyncset.done $0x0  }
0xe8: {  	[sflag:s25] =	ssyncadd.s32 $0xFFFFC000  }
.Ltmp4:
0xe9: {  	(pc) =	sbr.rel .LBB2_4-.Ltmp4, $4  }
0xea: {  	s2 =	sadd.s32 s31, s19  }
0xeb: {  	[tilespmem:s22], [sflag:$0x4] =	stream.linear.gather [hbm4b:s2+s4], $0x400, $0x38;
	[tilespmem:$0x1D000] =	vst v63  }
0xec: {  	s8 =	sadd.s32 s31, s18;
	s31 =	sadd.s32 $0x100, s31;
	s21 =	sadd.s32 $0x800, s21  }
0xed: {  	[tilespmem:s23], [sflag:$0x4] =	stream.linear.gather [hbm4b:s8+s4], $0x400, $0x38;
	[tilespmem:$0x1D000] =	vst v63  }
.LBB2_7:
0xee: {  	_ =	sfence.sel $0x180000  }
0xef: {  	[bflag:$0x0] =	sbarrier.arrive $0xFFFF  }
0xf0: {  	_ =	strace $0x9000004A  }
0xf1: {  	s0 =	stileid.u32;
	[bflag:$0x2] =	sbarrier.arrive $0xFFFF  }
0xf2: {  	p0 =	sne.s32 s0, $0x0;
	s0 =	rddreg [dreg:$0x3]  }
0xf3: {  	s0 =	sadd.s32 @!p0 $0x100000, s0  }
0xf4: {  	[sflag:s0] =	ssyncadd.tile.s32 @!p0 $0x1;
	_ =	shalt  }
.Lfunc_end2:
_tile_overlayer_lowered:
.L_overlay_start_2:
0xf5: {  	(tag) =	ssettag $0x2  }
0xf6: {  	s0 =	rddreg [dreg:$0x0];
	s2 =	stileid.u32  }
0xf7: {  	s1 =	rddreg [dreg:$0x1];
	p0 =	sne.s32 s2, $0x0  }
0xf8: {  	s3 =	rddreg [dreg:$0x2];
	[bflag:$0x3] =	sbarrier.arrive $0xFFFF;
	s2 =	simm.s32 @!p0 $0x1C05  }
0xf9: {  	[timem:s3], [sflag:s2] =	dma.local @!p0 [hbm:s0], s1  }
0xfa: {  	s0 =	simm.s32 @!p0 $0x5  }
0xfb: {  	_ =	swait.ge @!p0 [sflag:s0], s1  }
0xfc: {  	s1 =	ssub.s32 @!p0 $0x0, s1;
	[sflag:s0] =	ssyncset.done @!p0 $0x0  }
0xfd: {  	[sflag:s0] =	ssyncadd.s32 @!p0 s1  }
0xfe: {  	[bflag:$0x3] =	sbarrier.arrive $0xFFFF  }
0xff: {  	_ =	shalt  }

</sc_bundles>
